<compile_context>
chip_gen: v7x
topology: tpu7x:2x2x1
jax: 0.10.2.dev20260603
libtpu: 0.0.44.dev20260713+nightly
codegen_flags: <defaults>
</compile_context>

<pallas_src>
import functools

import jax
import jax.numpy as jnp
from jax import lax
from jax.experimental import pallas as pl
from jax.experimental.pallas import tpu as pltpu
from jax.experimental.pallas import tpu_sc as plsc

N = 10000
D = 128
E = 320000
NSUB = 16
CHUNK = 128
CPS = 157
EPW = CPS * CHUNK
E_PAD = EPW * NSUB
N_PAD = 10112
RPS = N_PAD // NSUB

_mesh = plsc.VectorSubcoreMesh(core_axis_name="c", subcore_axis_name="s")


def _sc_degrees(dst1, dst2, ones128, zD):

    @functools.partial(
        pl.kernel,
        out_type=[jax.ShapeDtypeStruct((N_PAD, D), jnp.float32)] * 2,
        mesh=_mesh,
        scratch_types=[
            pltpu.VMEM((CHUNK,), jnp.int32),
            pltpu.VMEM((CHUNK, D), jnp.float32),
            pltpu.VMEM_SHARED((N_PAD, D), jnp.float32),
        ],
    )
    def deg_kernel(d1_hbm, d2_hbm, ones_hbm, z_hbm, o1_hbm, o2_hbm,
                   idx_v, ones_v, acc):
        cid = lax.axis_index("c")
        sid = lax.axis_index("s")
        pltpu.sync_copy(z_hbm, acc.at[pl.ds(sid * RPS, RPS)])
        pltpu.sync_copy(ones_hbm, ones_v)
        plsc.subcore_barrier()
        for core_val, d_hbm, o_hbm in ((0, d1_hbm, o1_hbm), (1, d2_hbm, o2_hbm)):
            @pl.when(cid == core_val)
            def _(d_hbm=d_hbm, o_hbm=o_hbm):
                base = sid * EPW

                @pl.loop(0, CPS)
                def _(i):
                    pltpu.sync_copy(d_hbm.at[pl.ds(base + i * CHUNK, CHUNK)],
                                    idx_v)
                    pltpu.sync_copy(ones_v, acc.at[idx_v], add=True)

                plsc.subcore_barrier()
                pltpu.sync_copy(acc.at[pl.ds(sid * RPS, RPS)],
                                o_hbm.at[pl.ds(sid * RPS, RPS)])

    return deg_kernel(dst1, dst2, ones128, zD)


def _sc_scatter(g1, src1, dst1, g2, src2, dst2, zD):

    @functools.partial(
        pl.kernel,
        out_type=[jax.ShapeDtypeStruct((N_PAD, D), jnp.float32)] * 2,
        mesh=_mesh,
        scratch_types=[
            pltpu.VMEM((CHUNK,), jnp.int32),
            pltpu.VMEM((CHUNK,), jnp.int32),
            pltpu.VMEM((CHUNK, D), jnp.float32),
            pltpu.VMEM_SHARED((N_PAD, D), jnp.float32),
            pltpu.SemaphoreType.DMA,
        ],
    )
    def scat_kernel(g1_hbm, s1_hbm, d1_hbm, g2_hbm, s2_hbm, d2_hbm,
                    z_hbm, o1_hbm, o2_hbm, src_v, dst_v, rows_v, acc, sem):
        cid = lax.axis_index("c")
        sid = lax.axis_index("s")
        pltpu.sync_copy(z_hbm, acc.at[pl.ds(sid * RPS, RPS)])
        plsc.subcore_barrier()
        for core_val, g_hbm, s_hbm, d_hbm, o_hbm in (
                (0, g1_hbm, s1_hbm, d1_hbm, o1_hbm),
                (1, g2_hbm, s2_hbm, d2_hbm, o2_hbm)):
            @pl.when(cid == core_val)
            def _(g_hbm=g_hbm, s_hbm=s_hbm, d_hbm=d_hbm, o_hbm=o_hbm):
                base = sid * EPW

                @pl.loop(0, CPS)
                def _(i):
                    off = base + i * CHUNK
                    pltpu.sync_copy(s_hbm.at[pl.ds(off, CHUNK)], src_v)
                    pltpu.sync_copy(d_hbm.at[pl.ds(off, CHUNK)], dst_v)
                    pltpu.async_copy(g_hbm.at[src_v], rows_v, sem).wait()
                    pltpu.sync_copy(rows_v, acc.at[dst_v], add=True)

                plsc.subcore_barrier()
                pltpu.sync_copy(acc.at[pl.ds(sid * RPS, RPS)],
                                o_hbm.at[pl.ds(sid * RPS, RPS)])

    return scat_kernel(g1, src1, dst1, g2, src2, dst2, zD)


_R = 2000


def _dot(a, b):
    return lax.dot_general(a, b, (((1,), (0,)), ((), ())),
                           precision=lax.Precision.HIGHEST,
                           preferred_element_type=jnp.float32)


def _tc_first(x, W, deg):
    def body(x_ref, w_ref, deg_ref, o_ref):
        dis = lax.rsqrt(deg_ref[:, 0:1] + 1.0)
        o_ref[...] = dis * _dot(x_ref[...], w_ref[...])

    return pl.pallas_call(
        body,
        grid=(N // _R,),
        in_specs=[pl.BlockSpec((_R, D), lambda i: (i, 0)),
                  pl.BlockSpec((D, D), lambda i: (0, 0)),
                  pl.BlockSpec((_R, D), lambda i: (i, 0))],
        out_specs=pl.BlockSpec((_R, D), lambda i: (i, 0)),
        out_shape=jax.ShapeDtypeStruct((N, D), jnp.float32),
    )(x, W, deg)


def _tc_mid(s, g, deg, b, W):
    def body(s_ref, g_ref, deg_ref, b_ref, w_ref, o_ref):
        dis = lax.rsqrt(deg_ref[:, 0:1] + 1.0)
        h = jnp.maximum(dis * (s_ref[...] + g_ref[...]) + b_ref[...], 0.0)
        o_ref[...] = dis * _dot(h, w_ref[...])

    return pl.pallas_call(
        body,
        grid=(N // _R,),
        in_specs=[pl.BlockSpec((_R, D), lambda i: (i, 0)),
                  pl.BlockSpec((_R, D), lambda i: (i, 0)),
                  pl.BlockSpec((_R, D), lambda i: (i, 0)),
                  pl.BlockSpec((1, D), lambda i: (0, 0)),
                  pl.BlockSpec((D, D), lambda i: (0, 0))],
        out_specs=pl.BlockSpec((_R, D), lambda i: (i, 0)),
        out_shape=jax.ShapeDtypeStruct((N, D), jnp.float32),
    )(s, g, deg, b.reshape(1, D), W)


def _tc_last(s, g, deg, b):
    def body(s_ref, g_ref, deg_ref, b_ref, o_ref):
        dis = lax.rsqrt(deg_ref[:, 0:1] + 1.0)
        o_ref[...] = dis * (s_ref[...] + g_ref[...]) + b_ref[...]

    return pl.pallas_call(
        body,
        grid=(N // _R,),
        in_specs=[pl.BlockSpec((_R, D), lambda i: (i, 0)),
                  pl.BlockSpec((_R, D), lambda i: (i, 0)),
                  pl.BlockSpec((_R, D), lambda i: (i, 0)),
                  pl.BlockSpec((1, D), lambda i: (0, 0))],
        out_specs=pl.BlockSpec((_R, D), lambda i: (i, 0)),
        out_shape=jax.ShapeDtypeStruct((N, D), jnp.float32),
    )(s, g, deg, b.reshape(1, D))


def kernel(x1, edge_index1, x2, edge_index2, args,
           W1_0, b1_0, W1_1, b1_1, W2_0, b2_0, W2_1, b2_1):
    del args
    pad_src = jnp.zeros((E_PAD - E,), jnp.int32)
    pad_dst = jnp.full((E_PAD - E,), N, jnp.int32)
    s1 = jnp.concatenate([edge_index1[0], pad_src])
    d1 = jnp.concatenate([edge_index1[1], pad_dst])
    s2 = jnp.concatenate([edge_index2[0], pad_src])
    d2 = jnp.concatenate([edge_index2[1], pad_dst])
    ones128 = jnp.ones((CHUNK, D), jnp.float32)
    zD = jnp.zeros((RPS, D), jnp.float32)

    dega1, dega2 = _sc_degrees(d1, d2, ones128, zD)
    deg1, deg2 = dega1[:N], dega2[:N]

    G11 = _tc_first(x1, W1_0, deg1)
    G21 = _tc_first(x2, W2_0, deg2)
    S11, S21 = _sc_scatter(G11, s1, d1, G21, s2, d2, zD)
    G12 = _tc_mid(S11[:N], G11, deg1, b1_0, W1_1)
    G22 = _tc_mid(S21[:N], G21, deg2, b2_0, W2_1)
    S12, S22 = _sc_scatter(G12, s1, d1, G22, s2, d2, zD)
    out1 = _tc_last(S12[:N], G12, deg1, b1_1)
    out2 = _tc_last(S22[:N], G22, deg2, b2_1)
    return (out1, out2)

# --- scband reference (transcript-rebuilt; emitter-appended) ---
"""Pipeline reference for scband-dual-gcn-20590073217487 (READ-ONLY COPY).

The authoritative reference and input builder live on the scoring server;
editing this copy changes nothing except your own understanding.
"""

import jax, jax.numpy as jnp
import numpy as np

N = 10000
E = 320000
D_IN1 = 128
D_IN2 = 128
HID = 128
OUT = 128


def gcn_conv(x, edge_index, W, b):
    # Faithful PyG GCNConv: add self-loops, symmetric normalization D^-1/2 (A+I) D^-1/2 (X W) + b
    n = x.shape[0]
    loop = jnp.arange(n, dtype=edge_index.dtype)
    src = jnp.concatenate([edge_index[0], loop])
    dst = jnp.concatenate([edge_index[1], loop])
    deg = jnp.zeros((n,), dtype=x.dtype).at[dst].add(jnp.ones((src.shape[0],), dtype=x.dtype))
    deg_inv_sqrt = jax.lax.rsqrt(deg)
    norm = deg_inv_sqrt[src] * deg_inv_sqrt[dst]
    h = x @ W
    msg = h[src] * norm[:, None]
    out = jax.ops.segment_sum(msg, dst, num_segments=n)
    return out + b


def gcn_stack(x, edge_index, W0, b0, W1, b1):
    # GCN with k=2: relu(conv0(x)) -> conv1
    h = jax.nn.relu(gcn_conv(x, edge_index, W0, b0))
    return gcn_conv(h, edge_index, W1, b1)


def setup_inputs(seed: int = 0):
    key = jax.random.key(seed)
    ks = jax.random.split(key, 12)
    x1 = jax.random.normal(ks[0], (N, D_IN1), dtype=jnp.float32)
    edge_index1 = jax.random.randint(ks[1], (2, E), 0, N, dtype=jnp.int32)
    x2 = jax.random.normal(ks[2], (N, D_IN2), dtype=jnp.float32)
    edge_index2 = jax.random.randint(ks[3], (2, E), 0, N, dtype=jnp.int32)
    W1_0 = jax.random.normal(ks[4], (D_IN1, HID), dtype=jnp.float32) * (1.0 / np.sqrt(D_IN1))
    b1_0 = jnp.zeros((HID,), dtype=jnp.float32)
    W1_1 = jax.random.normal(ks[5], (HID, OUT), dtype=jnp.float32) * (1.0 / np.sqrt(HID))
    b1_1 = jnp.zeros((OUT,), dtype=jnp.float32)
    W2_0 = jax.random.normal(ks[6], (D_IN2, HID), dtype=jnp.float32) * (1.0 / np.sqrt(D_IN2))
    b2_0 = jnp.zeros((HID,), dtype=jnp.float32)
    W2_1 = jax.random.normal(ks[7], (HID, OUT), dtype=jnp.float32) * (1.0 / np.sqrt(HID))
    b2_1 = jnp.zeros((OUT,), dtype=jnp.float32)
    return {
        "x1": x1, "edge_index1": edge_index1,
        "x2": x2, "edge_index2": edge_index2,
        "args": 1,
        "W1_0": W1_0, "b1_0": b1_0, "W1_1": W1_1, "b1_1": b1_1,
        "W2_0": W2_0, "b2_0": b2_0, "W2_1": W2_1, "b2_1": b2_1,
    }


def reference(x1, edge_index1, x2, edge_index2, args, W1_0, b1_0, W1_1, b1_1, W2_0, b2_0, W2_1, b2_1):
    # DualGCN.forward with train=1: args unused, returns (out1, out2)
    out1 = gcn_stack(x1, edge_index1, W1_0, b1_0, W1_1, b1_1)
    out2 = gcn_stack(x2, edge_index2, W2_0, b2_0, W2_1, b2_1)
    return (out1, out2)

if __name__ == "__main__":
    import jax
    _d = setup_inputs()
    print(jax.jit(kernel)(*tuple(_d.values())))

</pallas_src>

<mosaic_0001>
#map = affine_map<(d0, d1) -> (0)>
#map1 = affine_map<(d0, d1) -> (0, 0)>
module attributes {stable_mosaic.version = 14 : i64} {
  func.func @deg_kernel(%arg0: i32, %arg1: i32, %arg2: memref<321536xi32, #tpu.memory_space<hbm>>, %arg3: memref<321536xi32, #tpu.memory_space<hbm>>, %arg4: memref<128x128xf32, #tpu.memory_space<hbm>>, %arg5: memref<632x128xf32, #tpu.memory_space<hbm>>, %arg6: memref<10112x128xf32, #tpu.memory_space<hbm>>, %arg7: memref<10112x128xf32, #tpu.memory_space<hbm>>, %arg8: memref<128xi32, #tpu.memory_space<vmem>>, %arg9: memref<128x128xf32, #tpu.memory_space<vmem>>, %arg10: memref<10112x128xf32, #tpu.memory_space<vmem_shared>>) attributes {dimension_semantics = [#tpu.dimension_semantics<core_parallel>, #tpu.dimension_semantics<subcore_parallel>], iteration_bounds = array<i64: 2, 16>, scalar_prefetch = 0 : i64, scratch_operands = 3 : i64, tpu.core_type = #tpu.core_type<sc_vector_subcore>, window_params = [{transform_indices = #map}, {transform_indices = #map}, {transform_indices = #map1}, {transform_indices = #map1}, {transform_indices = #map1}, {transform_indices = #map1}]} {
    %mul3A = arith.constant 632 : i32
    %mul3A_0 = arith.muli %arg1, %mul3A : i32
    "tpu.region"() ({
      %run_scoped3A = tpu.sem_alloc : memref<!tpu.dma_semaphore, #tpu.memory_space<semaphore_mem>>
      %dma_start3A = arith.constant 0 : i32
      %dma_start3A_8 = tpu.memref_slice %arg10[%mul3A_0, %dma_start3A] : memref<10112x128xf32, #tpu.memory_space<vmem_shared>> -> memref<632x128xf32, #tpu.memory_space<vmem_shared>>
      tpu.enqueue_dma source(%arg5 : memref<632x128xf32, #tpu.memory_space<hbm>>) target(%dma_start3A_8 : memref<632x128xf32, #tpu.memory_space<vmem_shared>>) target_semaphore(%run_scoped3A : memref<!tpu.dma_semaphore, #tpu.memory_space<semaphore_mem>>)
      %dma_wait3A = arith.constant 0 : i32
      %dma_wait3A_9 = tpu.memref_slice %arg10[%mul3A_0, %dma_wait3A] : memref<10112x128xf32, #tpu.memory_space<vmem_shared>> -> memref<632x128xf32, #tpu.memory_space<vmem_shared>>
      tpu.wait_dma2 semaphore(%run_scoped3A : memref<!tpu.dma_semaphore, #tpu.memory_space<semaphore_mem>>) src(%arg5 : memref<632x128xf32, #tpu.memory_space<hbm>>) dst(%dma_wait3A_9 : memref<632x128xf32, #tpu.memory_space<vmem_shared>>)
      tpu.yield
    }) : () -> ()
    "tpu.region"() ({
      %run_scoped3A = tpu.sem_alloc : memref<!tpu.dma_semaphore, #tpu.memory_space<semaphore_mem>>
      tpu.enqueue_dma source(%arg4 : memref<128x128xf32, #tpu.memory_space<hbm>>) target(%arg9 : memref<128x128xf32, #tpu.memory_space<vmem>>) target_semaphore(%run_scoped3A : memref<!tpu.dma_semaphore, #tpu.memory_space<semaphore_mem>>)
      tpu.wait_dma2 semaphore(%run_scoped3A : memref<!tpu.dma_semaphore, #tpu.memory_space<semaphore_mem>>) src(%arg4 : memref<128x128xf32, #tpu.memory_space<hbm>>) dst(%arg9 : memref<128x128xf32, #tpu.memory_space<vmem>>)
      tpu.yield
    }) : () -> ()
    %barrier3A = arith.constant 0 : index
    tpu.barrier barrier_id(%barrier3A)
    %eq3A = arith.constant 0 : i32
    %eq3A_1 = arith.cmpi eq, %arg0, %eq3A : i32
    %convert_element_type3A = arith.extui %eq3A_1 : i1 to i32
    %cond3A = arith.constant 0 : i32
    %cond3A_2 = arith.cmpi ne, %convert_element_type3A, %cond3A : i32
    scf.if %cond3A_2 {
      %mul3A_8 = arith.constant 20096 : i32
      %mul3A_9 = arith.muli %arg1, %mul3A_8 : i32
      %scan3A = arith.constant 0 : i32
      %scan3A_10 = arith.constant 157 : i32
      %scan3A_11 = arith.addi %scan3A, %scan3A_10 : i32
      %scan3A_12 = arith.constant 1 : i32
      scf.for %scan3A_19 = %scan3A to %scan3A_11 step %scan3A_12  : i32 {
        %mul3A_20 = arith.constant 1 : i32
        %mul3A_21 = arith.muli %scan3A_19, %mul3A_20 : i32
        %add3A = arith.constant 0 : i32
        %add3A_22 = arith.addi %add3A, %mul3A_21 : i32
        %mul3A_23 = arith.constant 128 : i32
        %mul3A_24 = arith.muli %add3A_22, %mul3A_23 : i32
        %add3A_25 = arith.addi %mul3A_9, %mul3A_24 : i32
        "tpu.region"() ({
          %run_scoped3A = tpu.sem_alloc : memref<!tpu.dma_semaphore, #tpu.memory_space<semaphore_mem>>
          %dma_start3A = tpu.memref_slice %arg2[%add3A_25] : memref<321536xi32, #tpu.memory_space<hbm>> -> memref<128xi32, #tpu.memory_space<hbm>>
          %dma_start3A_26 = tpu.memref_slice %arg2[%add3A_25] : memref<321536xi32, #tpu.memory_space<hbm>> -> memref<128xi32, #tpu.memory_space<hbm>>
          tpu.enqueue_dma source(%dma_start3A_26 : memref<128xi32, #tpu.memory_space<hbm>>) target(%arg8 : memref<128xi32, #tpu.memory_space<vmem>>) target_semaphore(%run_scoped3A : memref<!tpu.dma_semaphore, #tpu.memory_space<semaphore_mem>>)
          %dma_wait3A = tpu.memref_slice %arg2[%add3A_25] : memref<321536xi32, #tpu.memory_space<hbm>> -> memref<128xi32, #tpu.memory_space<hbm>>
          %dma_wait3A_27 = tpu.memref_slice %arg2[%add3A_25] : memref<321536xi32, #tpu.memory_space<hbm>> -> memref<128xi32, #tpu.memory_space<hbm>>
          tpu.wait_dma2 semaphore(%run_scoped3A : memref<!tpu.dma_semaphore, #tpu.memory_space<semaphore_mem>>) src(%dma_wait3A_27 : memref<128xi32, #tpu.memory_space<hbm>>) dst(%arg8 : memref<128xi32, #tpu.memory_space<vmem>>)
          tpu.yield
        }) : () -> ()
        "tpu.region"() ({
          %run_scoped3A = tpu.sem_alloc : memref<!tpu.dma_semaphore, #tpu.memory_space<semaphore_mem>>
          %dma_start3A = arith.constant 0 : i32
          %dma_start3A_26 = arith.constant 0 : i32
          %dma_start3A_27 = tpu.memref_slice %arg10[%dma_start3A, %dma_start3A_26] : memref<10112x128xf32, #tpu.memory_space<vmem_shared>> -> memref<10112x128xf32, #tpu.memory_space<vmem_shared>>
          tpu.enqueue_indirect_dma source(%arg9 : memref<128x128xf32, #tpu.memory_space<vmem>>) target(%dma_start3A_27 : memref<10112x128xf32, #tpu.memory_space<vmem_shared>>) offsets(%arg8 : memref<128xi32, #tpu.memory_space<vmem>>) semaphore(%run_scoped3A : memref<!tpu.dma_semaphore, #tpu.memory_space<semaphore_mem>>) {add = true}
          %dma_wait3A = arith.constant 0 : i32
          %dma_wait3A_28 = arith.constant 0 : i32
          %dma_wait3A_29 = tpu.memref_slice %arg10[%dma_wait3A, %dma_wait3A_28] : memref<10112x128xf32, #tpu.memory_space<vmem_shared>> -> memref<10112x128xf32, #tpu.memory_space<vmem_shared>>
          tpu.wait_indirect_dma semaphore(%run_scoped3A : memref<!tpu.dma_semaphore, #tpu.memory_space<semaphore_mem>>) src(%arg9 : memref<128x128xf32, #tpu.memory_space<vmem>>) dst(%dma_wait3A_29 : memref<10112x128xf32, #tpu.memory_space<vmem_shared>>)
          tpu.yield
        }) : () -> ()
      }
      %scan3A_13 = arith.constant 157 : i32
      %barrier3A_14 = arith.constant 0 : index
      tpu.barrier barrier_id(%barrier3A_14)
      %mul3A_15 = arith.constant 632 : i32
      %mul3A_16 = arith.muli %arg1, %mul3A_15 : i32
      %mul3A_17 = arith.constant 632 : i32
      %mul3A_18 = arith.muli %arg1, %mul3A_17 : i32
      "tpu.region"() ({
        %run_scoped3A = tpu.sem_alloc : memref<!tpu.dma_semaphore, #tpu.memory_space<semaphore_mem>>
        %dma_start3A = arith.constant 0 : i32
        %dma_start3A_19 = tpu.memref_slice %arg6[%mul3A_18, %dma_start3A] : memref<10112x128xf32, #tpu.memory_space<hbm>> -> memref<632x128xf32, #tpu.memory_space<hbm>>
        %dma_start3A_20 = arith.constant 0 : i32
        %dma_start3A_21 = tpu.memref_slice %arg10[%mul3A_16, %dma_start3A_20] : memref<10112x128xf32, #tpu.memory_space<vmem_shared>> -> memref<632x128xf32, #tpu.memory_space<vmem_shared>>
        tpu.enqueue_dma source(%dma_start3A_21 : memref<632x128xf32, #tpu.memory_space<vmem_shared>>) target(%dma_start3A_19 : memref<632x128xf32, #tpu.memory_space<hbm>>) target_semaphore(%run_scoped3A : memref<!tpu.dma_semaphore, #tpu.memory_space<semaphore_mem>>)
        %dma_wait3A = arith.constant 0 : i32
        %dma_wait3A_22 = tpu.memref_slice %arg6[%mul3A_18, %dma_wait3A] : memref<10112x128xf32, #tpu.memory_space<hbm>> -> memref<632x128xf32, #tpu.memory_space<hbm>>
        %dma_wait3A_23 = arith.constant 0 : i32
        %dma_wait3A_24 = tpu.memref_slice %arg10[%mul3A_16, %dma_wait3A_23] : memref<10112x128xf32, #tpu.memory_space<vmem_shared>> -> memref<632x128xf32, #tpu.memory_space<vmem_shared>>
        tpu.wait_dma2 semaphore(%run_scoped3A : memref<!tpu.dma_semaphore, #tpu.memory_space<semaphore_mem>>) src(%dma_wait3A_24 : memref<632x128xf32, #tpu.memory_space<vmem_shared>>) dst(%dma_wait3A_22 : memref<632x128xf32, #tpu.memory_space<hbm>>)
        tpu.yield
      }) : () -> ()
    } else {
    }
    %eq3A_3 = arith.constant 1 : i32
    %eq3A_4 = arith.cmpi eq, %arg0, %eq3A_3 : i32
    %convert_element_type3A_5 = arith.extui %eq3A_4 : i1 to i32
    %cond3A_6 = arith.constant 0 : i32
    %cond3A_7 = arith.cmpi ne, %convert_element_type3A_5, %cond3A_6 : i32
    scf.if %cond3A_7 {
      %mul3A_8 = arith.constant 20096 : i32
      %mul3A_9 = arith.muli %arg1, %mul3A_8 : i32
      %scan3A = arith.constant 0 : i32
      %scan3A_10 = arith.constant 157 : i32
      %scan3A_11 = arith.addi %scan3A, %scan3A_10 : i32
      %scan3A_12 = arith.constant 1 : i32
      scf.for %scan3A_19 = %scan3A to %scan3A_11 step %scan3A_12  : i32 {
        %mul3A_20 = arith.constant 1 : i32
        %mul3A_21 = arith.muli %scan3A_19, %mul3A_20 : i32
        %add3A = arith.constant 0 : i32
        %add3A_22 = arith.addi %add3A, %mul3A_21 : i32
        %mul3A_23 = arith.constant 128 : i32
        %mul3A_24 = arith.muli %add3A_22, %mul3A_23 : i32
        %add3A_25 = arith.addi %mul3A_9, %mul3A_24 : i32
        "tpu.region"() ({
          %run_scoped3A = tpu.sem_alloc : memref<!tpu.dma_semaphore, #tpu.memory_space<semaphore_mem>>
          %dma_start3A = tpu.memref_slice %arg3[%add3A_25] : memref<321536xi32, #tpu.memory_space<hbm>> -> memref<128xi32, #tpu.memory_space<hbm>>
          %dma_start3A_26 = tpu.memref_slice %arg3[%add3A_25] : memref<321536xi32, #tpu.memory_space<hbm>> -> memref<128xi32, #tpu.memory_space<hbm>>
          tpu.enqueue_dma source(%dma_start3A_26 : memref<128xi32, #tpu.memory_space<hbm>>) target(%arg8 : memref<128xi32, #tpu.memory_space<vmem>>) target_semaphore(%run_scoped3A : memref<!tpu.dma_semaphore, #tpu.memory_space<semaphore_mem>>)
          %dma_wait3A = tpu.memref_slice %arg3[%add3A_25] : memref<321536xi32, #tpu.memory_space<hbm>> -> memref<128xi32, #tpu.memory_space<hbm>>
          %dma_wait3A_27 = tpu.memref_slice %arg3[%add3A_25] : memref<321536xi32, #tpu.memory_space<hbm>> -> memref<128xi32, #tpu.memory_space<hbm>>
          tpu.wait_dma2 semaphore(%run_scoped3A : memref<!tpu.dma_semaphore, #tpu.memory_space<semaphore_mem>>) src(%dma_wait3A_27 : memref<128xi32, #tpu.memory_space<hbm>>) dst(%arg8 : memref<128xi32, #tpu.memory_space<vmem>>)
          tpu.yield
        }) : () -> ()
        "tpu.region"() ({
          %run_scoped3A = tpu.sem_alloc : memref<!tpu.dma_semaphore, #tpu.memory_space<semaphore_mem>>
          %dma_start3A = arith.constant 0 : i32
          %dma_start3A_26 = arith.constant 0 : i32
          %dma_start3A_27 = tpu.memref_slice %arg10[%dma_start3A, %dma_start3A_26] : memref<10112x128xf32, #tpu.memory_space<vmem_shared>> -> memref<10112x128xf32, #tpu.memory_space<vmem_shared>>
          tpu.enqueue_indirect_dma source(%arg9 : memref<128x128xf32, #tpu.memory_space<vmem>>) target(%dma_start3A_27 : memref<10112x128xf32, #tpu.memory_space<vmem_shared>>) offsets(%arg8 : memref<128xi32, #tpu.memory_space<vmem>>) semaphore(%run_scoped3A : memref<!tpu.dma_semaphore, #tpu.memory_space<semaphore_mem>>) {add = true}
          %dma_wait3A = arith.constant 0 : i32
          %dma_wait3A_28 = arith.constant 0 : i32
          %dma_wait3A_29 = tpu.memref_slice %arg10[%dma_wait3A, %dma_wait3A_28] : memref<10112x128xf32, #tpu.memory_space<vmem_shared>> -> memref<10112x128xf32, #tpu.memory_space<vmem_shared>>
          tpu.wait_indirect_dma semaphore(%run_scoped3A : memref<!tpu.dma_semaphore, #tpu.memory_space<semaphore_mem>>) src(%arg9 : memref<128x128xf32, #tpu.memory_space<vmem>>) dst(%dma_wait3A_29 : memref<10112x128xf32, #tpu.memory_space<vmem_shared>>)
          tpu.yield
        }) : () -> ()
      }
      %scan3A_13 = arith.constant 157 : i32
      %barrier3A_14 = arith.constant 0 : index
      tpu.barrier barrier_id(%barrier3A_14)
      %mul3A_15 = arith.constant 632 : i32
      %mul3A_16 = arith.muli %arg1, %mul3A_15 : i32
      %mul3A_17 = arith.constant 632 : i32
      %mul3A_18 = arith.muli %arg1, %mul3A_17 : i32
      "tpu.region"() ({
        %run_scoped3A = tpu.sem_alloc : memref<!tpu.dma_semaphore, #tpu.memory_space<semaphore_mem>>
        %dma_start3A = arith.constant 0 : i32
        %dma_start3A_19 = tpu.memref_slice %arg7[%mul3A_18, %dma_start3A] : memref<10112x128xf32, #tpu.memory_space<hbm>> -> memref<632x128xf32, #tpu.memory_space<hbm>>
        %dma_start3A_20 = arith.constant 0 : i32
        %dma_start3A_21 = tpu.memref_slice %arg10[%mul3A_16, %dma_start3A_20] : memref<10112x128xf32, #tpu.memory_space<vmem_shared>> -> memref<632x128xf32, #tpu.memory_space<vmem_shared>>
        tpu.enqueue_dma source(%dma_start3A_21 : memref<632x128xf32, #tpu.memory_space<vmem_shared>>) target(%dma_start3A_19 : memref<632x128xf32, #tpu.memory_space<hbm>>) target_semaphore(%run_scoped3A : memref<!tpu.dma_semaphore, #tpu.memory_space<semaphore_mem>>)
        %dma_wait3A = arith.constant 0 : i32
        %dma_wait3A_22 = tpu.memref_slice %arg7[%mul3A_18, %dma_wait3A] : memref<10112x128xf32, #tpu.memory_space<hbm>> -> memref<632x128xf32, #tpu.memory_space<hbm>>
        %dma_wait3A_23 = arith.constant 0 : i32
        %dma_wait3A_24 = tpu.memref_slice %arg10[%mul3A_16, %dma_wait3A_23] : memref<10112x128xf32, #tpu.memory_space<vmem_shared>> -> memref<632x128xf32, #tpu.memory_space<vmem_shared>>
        tpu.wait_dma2 semaphore(%run_scoped3A : memref<!tpu.dma_semaphore, #tpu.memory_space<semaphore_mem>>) src(%dma_wait3A_24 : memref<632x128xf32, #tpu.memory_space<vmem_shared>>) dst(%dma_wait3A_22 : memref<632x128xf32, #tpu.memory_space<hbm>>)
        tpu.yield
      }) : () -> ()
    } else {
    }
    return
  }
}

#map = affine_map<(d0, d1) -> (0, 0)>
#map1 = affine_map<(d0, d1) -> (0)>
module attributes {stable_mosaic.version = 14 : i64} {
  func.func @scat_kernel(%arg0: i32, %arg1: i32, %arg2: memref<10000x128xf32, #tpu.memory_space<hbm>>, %arg3: memref<321536xi32, #tpu.memory_space<hbm>>, %arg4: memref<321536xi32, #tpu.memory_space<hbm>>, %arg5: memref<10000x128xf32, #tpu.memory_space<hbm>>, %arg6: memref<321536xi32, #tpu.memory_space<hbm>>, %arg7: memref<321536xi32, #tpu.memory_space<hbm>>, %arg8: memref<632x128xf32, #tpu.memory_space<hbm>>, %arg9: memref<10112x128xf32, #tpu.memory_space<hbm>>, %arg10: memref<10112x128xf32, #tpu.memory_space<hbm>>, %arg11: memref<128xi32, #tpu.memory_space<vmem>>, %arg12: memref<128xi32, #tpu.memory_space<vmem>>, %arg13: memref<128x128xf32, #tpu.memory_space<vmem>>, %arg14: memref<10112x128xf32, #tpu.memory_space<vmem_shared>>, %arg15: memref<!tpu.dma_semaphore, #tpu.memory_space<semaphore_mem>>) attributes {dimension_semantics = [#tpu.dimension_semantics<core_parallel>, #tpu.dimension_semantics<subcore_parallel>], iteration_bounds = array<i64: 2, 16>, scalar_prefetch = 0 : i64, scratch_operands = 5 : i64, tpu.core_type = #tpu.core_type<sc_vector_subcore>, window_params = [{transform_indices = #map}, {transform_indices = #map1}, {transform_indices = #map1}, {transform_indices = #map}, {transform_indices = #map1}, {transform_indices = #map1}, {transform_indices = #map}, {transform_indices = #map}, {transform_indices = #map}]} {
    %mul3A = arith.constant 632 : i32
    %mul3A_0 = arith.muli %arg1, %mul3A : i32
    "tpu.region"() ({
      %run_scoped3A = tpu.sem_alloc : memref<!tpu.dma_semaphore, #tpu.memory_space<semaphore_mem>>
      %dma_start3A = arith.constant 0 : i32
      %dma_start3A_8 = tpu.memref_slice %arg14[%mul3A_0, %dma_start3A] : memref<10112x128xf32, #tpu.memory_space<vmem_shared>> -> memref<632x128xf32, #tpu.memory_space<vmem_shared>>
      tpu.enqueue_dma source(%arg8 : memref<632x128xf32, #tpu.memory_space<hbm>>) target(%dma_start3A_8 : memref<632x128xf32, #tpu.memory_space<vmem_shared>>) target_semaphore(%run_scoped3A : memref<!tpu.dma_semaphore, #tpu.memory_space<semaphore_mem>>)
      %dma_wait3A = arith.constant 0 : i32
      %dma_wait3A_9 = tpu.memref_slice %arg14[%mul3A_0, %dma_wait3A] : memref<10112x128xf32, #tpu.memory_space<vmem_shared>> -> memref<632x128xf32, #tpu.memory_space<vmem_shared>>
      tpu.wait_dma2 semaphore(%run_scoped3A : memref<!tpu.dma_semaphore, #tpu.memory_space<semaphore_mem>>) src(%arg8 : memref<632x128xf32, #tpu.memory_space<hbm>>) dst(%dma_wait3A_9 : memref<632x128xf32, #tpu.memory_space<vmem_shared>>)
      tpu.yield
    }) : () -> ()
    %barrier3A = arith.constant 0 : index
    tpu.barrier barrier_id(%barrier3A)
    %eq3A = arith.constant 0 : i32
    %eq3A_1 = arith.cmpi eq, %arg0, %eq3A : i32
    %convert_element_type3A = arith.extui %eq3A_1 : i1 to i32
    %cond3A = arith.constant 0 : i32
    %cond3A_2 = arith.cmpi ne, %convert_element_type3A, %cond3A : i32
    scf.if %cond3A_2 {
      %mul3A_8 = arith.constant 20096 : i32
      %mul3A_9 = arith.muli %arg1, %mul3A_8 : i32
      %scan3A = arith.constant 0 : i32
      %scan3A_10 = arith.constant 157 : i32
      %scan3A_11 = arith.addi %scan3A, %scan3A_10 : i32
      %scan3A_12 = arith.constant 1 : i32
      scf.for %scan3A_19 = %scan3A to %scan3A_11 step %scan3A_12  : i32 {
        %mul3A_20 = arith.constant 1 : i32
        %mul3A_21 = arith.muli %scan3A_19, %mul3A_20 : i32
        %add3A = arith.constant 0 : i32
        %add3A_22 = arith.addi %add3A, %mul3A_21 : i32
        %mul3A_23 = arith.constant 128 : i32
        %mul3A_24 = arith.muli %add3A_22, %mul3A_23 : i32
        %add3A_25 = arith.addi %mul3A_9, %mul3A_24 : i32
        "tpu.region"() ({
          %run_scoped3A = tpu.sem_alloc : memref<!tpu.dma_semaphore, #tpu.memory_space<semaphore_mem>>
          %dma_start3A_30 = tpu.memref_slice %arg3[%add3A_25] : memref<321536xi32, #tpu.memory_space<hbm>> -> memref<128xi32, #tpu.memory_space<hbm>>
          %dma_start3A_31 = tpu.memref_slice %arg3[%add3A_25] : memref<321536xi32, #tpu.memory_space<hbm>> -> memref<128xi32, #tpu.memory_space<hbm>>
          tpu.enqueue_dma source(%dma_start3A_31 : memref<128xi32, #tpu.memory_space<hbm>>) target(%arg11 : memref<128xi32, #tpu.memory_space<vmem>>) target_semaphore(%run_scoped3A : memref<!tpu.dma_semaphore, #tpu.memory_space<semaphore_mem>>)
          %dma_wait3A_32 = tpu.memref_slice %arg3[%add3A_25] : memref<321536xi32, #tpu.memory_space<hbm>> -> memref<128xi32, #tpu.memory_space<hbm>>
          %dma_wait3A_33 = tpu.memref_slice %arg3[%add3A_25] : memref<321536xi32, #tpu.memory_space<hbm>> -> memref<128xi32, #tpu.memory_space<hbm>>
          tpu.wait_dma2 semaphore(%run_scoped3A : memref<!tpu.dma_semaphore, #tpu.memory_space<semaphore_mem>>) src(%dma_wait3A_33 : memref<128xi32, #tpu.memory_space<hbm>>) dst(%arg11 : memref<128xi32, #tpu.memory_space<vmem>>)
          tpu.yield
        }) : () -> ()
        "tpu.region"() ({
          %run_scoped3A = tpu.sem_alloc : memref<!tpu.dma_semaphore, #tpu.memory_space<semaphore_mem>>
          %dma_start3A_30 = tpu.memref_slice %arg4[%add3A_25] : memref<321536xi32, #tpu.memory_space<hbm>> -> memref<128xi32, #tpu.memory_space<hbm>>
          %dma_start3A_31 = tpu.memref_slice %arg4[%add3A_25] : memref<321536xi32, #tpu.memory_space<hbm>> -> memref<128xi32, #tpu.memory_space<hbm>>
          tpu.enqueue_dma source(%dma_start3A_31 : memref<128xi32, #tpu.memory_space<hbm>>) target(%arg12 : memref<128xi32, #tpu.memory_space<vmem>>) target_semaphore(%run_scoped3A : memref<!tpu.dma_semaphore, #tpu.memory_space<semaphore_mem>>)
          %dma_wait3A_32 = tpu.memref_slice %arg4[%add3A_25] : memref<321536xi32, #tpu.memory_space<hbm>> -> memref<128xi32, #tpu.memory_space<hbm>>
          %dma_wait3A_33 = tpu.memref_slice %arg4[%add3A_25] : memref<321536xi32, #tpu.memory_space<hbm>> -> memref<128xi32, #tpu.memory_space<hbm>>
          tpu.wait_dma2 semaphore(%run_scoped3A : memref<!tpu.dma_semaphore, #tpu.memory_space<semaphore_mem>>) src(%dma_wait3A_33 : memref<128xi32, #tpu.memory_space<hbm>>) dst(%arg12 : memref<128xi32, #tpu.memory_space<vmem>>)
          tpu.yield
        }) : () -> ()
        %dma_start3A = arith.constant 0 : i32
        %dma_start3A_26 = arith.constant 0 : i32
        %dma_start3A_27 = tpu.memref_slice %arg2[%dma_start3A, %dma_start3A_26] : memref<10000x128xf32, #tpu.memory_space<hbm>> -> memref<10000x128xf32, #tpu.memory_space<hbm>>
        tpu.enqueue_indirect_dma source(%dma_start3A_27 : memref<10000x128xf32, #tpu.memory_space<hbm>>) target(%arg13 : memref<128x128xf32, #tpu.memory_space<vmem>>) offsets(%arg11 : memref<128xi32, #tpu.memory_space<vmem>>) semaphore(%arg15 : memref<!tpu.dma_semaphore, #tpu.memory_space<semaphore_mem>>)
        %dma_wait3A = arith.constant 0 : i32
        %dma_wait3A_28 = arith.constant 0 : i32
        %dma_wait3A_29 = tpu.memref_slice %arg2[%dma_wait3A, %dma_wait3A_28] : memref<10000x128xf32, #tpu.memory_space<hbm>> -> memref<10000x128xf32, #tpu.memory_space<hbm>>
        tpu.wait_indirect_dma semaphore(%arg15 : memref<!tpu.dma_semaphore, #tpu.memory_space<semaphore_mem>>) src(%dma_wait3A_29 : memref<10000x128xf32, #tpu.memory_space<hbm>>) dst(%arg13 : memref<128x128xf32, #tpu.memory_space<vmem>>)
        "tpu.region"() ({
          %run_scoped3A = tpu.sem_alloc : memref<!tpu.dma_semaphore, #tpu.memory_space<semaphore_mem>>
          %dma_start3A_30 = arith.constant 0 : i32
          %dma_start3A_31 = arith.constant 0 : i32
          %dma_start3A_32 = tpu.memref_slice %arg14[%dma_start3A_30, %dma_start3A_31] : memref<10112x128xf32, #tpu.memory_space<vmem_shared>> -> memref<10112x128xf32, #tpu.memory_space<vmem_shared>>
          tpu.enqueue_indirect_dma source(%arg13 : memref<128x128xf32, #tpu.memory_space<vmem>>) target(%dma_start3A_32 : memref<10112x128xf32, #tpu.memory_space<vmem_shared>>) offsets(%arg12 : memref<128xi32, #tpu.memory_space<vmem>>) semaphore(%run_scoped3A : memref<!tpu.dma_semaphore, #tpu.memory_space<semaphore_mem>>) {add = true}
          %dma_wait3A_33 = arith.constant 0 : i32
          %dma_wait3A_34 = arith.constant 0 : i32
          %dma_wait3A_35 = tpu.memref_slice %arg14[%dma_wait3A_33, %dma_wait3A_34] : memref<10112x128xf32, #tpu.memory_space<vmem_shared>> -> memref<10112x128xf32, #tpu.memory_space<vmem_shared>>
          tpu.wait_indirect_dma semaphore(%run_scoped3A : memref<!tpu.dma_semaphore, #tpu.memory_space<semaphore_mem>>) src(%arg13 : memref<128x128xf32, #tpu.memory_space<vmem>>) dst(%dma_wait3A_35 : memref<10112x128xf32, #tpu.memory_space<vmem_shared>>)
          tpu.yield
        }) : () -> ()
      }
      %scan3A_13 = arith.constant 157 : i32
      %barrier3A_14 = arith.constant 0 : index
      tpu.barrier barrier_id(%barrier3A_14)
      %mul3A_15 = arith.constant 632 : i32
      %mul3A_16 = arith.muli %arg1, %mul3A_15 : i32
      %mul3A_17 = arith.constant 632 : i32
      %mul3A_18 = arith.muli %arg1, %mul3A_17 : i32
      "tpu.region"() ({
        %run_scoped3A = tpu.sem_alloc : memref<!tpu.dma_semaphore, #tpu.memory_space<semaphore_mem>>
        %dma_start3A = arith.constant 0 : i32
        %dma_start3A_19 = tpu.memref_slice %arg9[%mul3A_18, %dma_start3A] : memref<10112x128xf32, #tpu.memory_space<hbm>> -> memref<632x128xf32, #tpu.memory_space<hbm>>
        %dma_start3A_20 = arith.constant 0 : i32
        %dma_start3A_21 = tpu.memref_slice %arg14[%mul3A_16, %dma_start3A_20] : memref<10112x128xf32, #tpu.memory_space<vmem_shared>> -> memref<632x128xf32, #tpu.memory_space<vmem_shared>>
        tpu.enqueue_dma source(%dma_start3A_21 : memref<632x128xf32, #tpu.memory_space<vmem_shared>>) target(%dma_start3A_19 : memref<632x128xf32, #tpu.memory_space<hbm>>) target_semaphore(%run_scoped3A : memref<!tpu.dma_semaphore, #tpu.memory_space<semaphore_mem>>)
        %dma_wait3A = arith.constant 0 : i32
        %dma_wait3A_22 = tpu.memref_slice %arg9[%mul3A_18, %dma_wait3A] : memref<10112x128xf32, #tpu.memory_space<hbm>> -> memref<632x128xf32, #tpu.memory_space<hbm>>
        %dma_wait3A_23 = arith.constant 0 : i32
        %dma_wait3A_24 = tpu.memref_slice %arg14[%mul3A_16, %dma_wait3A_23] : memref<10112x128xf32, #tpu.memory_space<vmem_shared>> -> memref<632x128xf32, #tpu.memory_space<vmem_shared>>
        tpu.wait_dma2 semaphore(%run_scoped3A : memref<!tpu.dma_semaphore, #tpu.memory_space<semaphore_mem>>) src(%dma_wait3A_24 : memref<632x128xf32, #tpu.memory_space<vmem_shared>>) dst(%dma_wait3A_22 : memref<632x128xf32, #tpu.memory_space<hbm>>)
        tpu.yield
      }) : () -> ()
    } else {
    }
    %eq3A_3 = arith.constant 1 : i32
    %eq3A_4 = arith.cmpi eq, %arg0, %eq3A_3 : i32
    %convert_element_type3A_5 = arith.extui %eq3A_4 : i1 to i32
    %cond3A_6 = arith.constant 0 : i32
    %cond3A_7 = arith.cmpi ne, %convert_element_type3A_5, %cond3A_6 : i32
    scf.if %cond3A_7 {
      %mul3A_8 = arith.constant 20096 : i32
      %mul3A_9 = arith.muli %arg1, %mul3A_8 : i32
      %scan3A = arith.constant 0 : i32
      %scan3A_10 = arith.constant 157 : i32
      %scan3A_11 = arith.addi %scan3A, %scan3A_10 : i32
      %scan3A_12 = arith.constant 1 : i32
      scf.for %scan3A_19 = %scan3A to %scan3A_11 step %scan3A_12  : i32 {
        %mul3A_20 = arith.constant 1 : i32
        %mul3A_21 = arith.muli %scan3A_19, %mul3A_20 : i32
        %add3A = arith.constant 0 : i32
        %add3A_22 = arith.addi %add3A, %mul3A_21 : i32
        %mul3A_23 = arith.constant 128 : i32
        %mul3A_24 = arith.muli %add3A_22, %mul3A_23 : i32
        %add3A_25 = arith.addi %mul3A_9, %mul3A_24 : i32
        "tpu.region"() ({
          %run_scoped3A = tpu.sem_alloc : memref<!tpu.dma_semaphore, #tpu.memory_space<semaphore_mem>>
          %dma_start3A_30 = tpu.memref_slice %arg6[%add3A_25] : memref<321536xi32, #tpu.memory_space<hbm>> -> memref<128xi32, #tpu.memory_space<hbm>>
          %dma_start3A_31 = tpu.memref_slice %arg6[%add3A_25] : memref<321536xi32, #tpu.memory_space<hbm>> -> memref<128xi32, #tpu.memory_space<hbm>>
          tpu.enqueue_dma source(%dma_start3A_31 : memref<128xi32, #tpu.memory_space<hbm>>) target(%arg11 : memref<128xi32, #tpu.memory_space<vmem>>) target_semaphore(%run_scoped3A : memref<!tpu.dma_semaphore, #tpu.memory_space<semaphore_mem>>)
          %dma_wait3A_32 = tpu.memref_slice %arg6[%add3A_25] : memref<321536xi32, #tpu.memory_space<hbm>> -> memref<128xi32, #tpu.memory_space<hbm>>
          %dma_wait3A_33 = tpu.memref_slice %arg6[%add3A_25] : memref<321536xi32, #tpu.memory_space<hbm>> -> memref<128xi32, #tpu.memory_space<hbm>>
          tpu.wait_dma2 semaphore(%run_scoped3A : memref<!tpu.dma_semaphore, #tpu.memory_space<semaphore_mem>>) src(%dma_wait3A_33 : memref<128xi32, #tpu.memory_space<hbm>>) dst(%arg11 : memref<128xi32, #tpu.memory_space<vmem>>)
          tpu.yield
        }) : () -> ()
        "tpu.region"() ({
          %run_scoped3A = tpu.sem_alloc : memref<!tpu.dma_semaphore, #tpu.memory_space<semaphore_mem>>
          %dma_start3A_30 = tpu.memref_slice %arg7[%add3A_25] : memref<321536xi32, #tpu.memory_space<hbm>> -> memref<128xi32, #tpu.memory_space<hbm>>
          %dma_start3A_31 = tpu.memref_slice %arg7[%add3A_25] : memref<321536xi32, #tpu.memory_space<hbm>> -> memref<128xi32, #tpu.memory_space<hbm>>
          tpu.enqueue_dma source(%dma_start3A_31 : memref<128xi32, #tpu.memory_space<hbm>>) target(%arg12 : memref<128xi32, #tpu.memory_space<vmem>>) target_semaphore(%run_scoped3A : memref<!tpu.dma_semaphore, #tpu.memory_space<semaphore_mem>>)
          %dma_wait3A_32 = tpu.memref_slice %arg7[%add3A_25] : memref<321536xi32, #tpu.memory_space<hbm>> -> memref<128xi32, #tpu.memory_space<hbm>>
          %dma_wait3A_33 = tpu.memref_slice %arg7[%add3A_25] : memref<321536xi32, #tpu.memory_space<hbm>> -> memref<128xi32, #tpu.memory_space<hbm>>
          tpu.wait_dma2 semaphore(%run_scoped3A : memref<!tpu.dma_semaphore, #tpu.memory_space<semaphore_mem>>) src(%dma_wait3A_33 : memref<128xi32, #tpu.memory_space<hbm>>) dst(%arg12 : memref<128xi32, #tpu.memory_space<vmem>>)
          tpu.yield
        }) : () -> ()
        %dma_start3A = arith.constant 0 : i32
        %dma_start3A_26 = arith.constant 0 : i32
        %dma_start3A_27 = tpu.memref_slice %arg5[%dma_start3A, %dma_start3A_26] : memref<10000x128xf32, #tpu.memory_space<hbm>> -> memref<10000x128xf32, #tpu.memory_space<hbm>>
        tpu.enqueue_indirect_dma source(%dma_start3A_27 : memref<10000x128xf32, #tpu.memory_space<hbm>>) target(%arg13 : memref<128x128xf32, #tpu.memory_space<vmem>>) offsets(%arg11 : memref<128xi32, #tpu.memory_space<vmem>>) semaphore(%arg15 : memref<!tpu.dma_semaphore, #tpu.memory_space<semaphore_mem>>)
        %dma_wait3A = arith.constant 0 : i32
        %dma_wait3A_28 = arith.constant 0 : i32
        %dma_wait3A_29 = tpu.memref_slice %arg5[%dma_wait3A, %dma_wait3A_28] : memref<10000x128xf32, #tpu.memory_space<hbm>> -> memref<10000x128xf32, #tpu.memory_space<hbm>>
        tpu.wait_indirect_dma semaphore(%arg15 : memref<!tpu.dma_semaphore, #tpu.memory_space<semaphore_mem>>) src(%dma_wait3A_29 : memref<10000x128xf32, #tpu.memory_space<hbm>>) dst(%arg13 : memref<128x128xf32, #tpu.memory_space<vmem>>)
        "tpu.region"() ({
          %run_scoped3A = tpu.sem_alloc : memref<!tpu.dma_semaphore, #tpu.memory_space<semaphore_mem>>
          %dma_start3A_30 = arith.constant 0 : i32
          %dma_start3A_31 = arith.constant 0 : i32
          %dma_start3A_32 = tpu.memref_slice %arg14[%dma_start3A_30, %dma_start3A_31] : memref<10112x128xf32, #tpu.memory_space<vmem_shared>> -> memref<10112x128xf32, #tpu.memory_space<vmem_shared>>
          tpu.enqueue_indirect_dma source(%arg13 : memref<128x128xf32, #tpu.memory_space<vmem>>) target(%dma_start3A_32 : memref<10112x128xf32, #tpu.memory_space<vmem_shared>>) offsets(%arg12 : memref<128xi32, #tpu.memory_space<vmem>>) semaphore(%run_scoped3A : memref<!tpu.dma_semaphore, #tpu.memory_space<semaphore_mem>>) {add = true}
          %dma_wait3A_33 = arith.constant 0 : i32
          %dma_wait3A_34 = arith.constant 0 : i32
          %dma_wait3A_35 = tpu.memref_slice %arg14[%dma_wait3A_33, %dma_wait3A_34] : memref<10112x128xf32, #tpu.memory_space<vmem_shared>> -> memref<10112x128xf32, #tpu.memory_space<vmem_shared>>
          tpu.wait_indirect_dma semaphore(%run_scoped3A : memref<!tpu.dma_semaphore, #tpu.memory_space<semaphore_mem>>) src(%arg13 : memref<128x128xf32, #tpu.memory_space<vmem>>) dst(%dma_wait3A_35 : memref<10112x128xf32, #tpu.memory_space<vmem_shared>>)
          tpu.yield
        }) : () -> ()
      }
      %scan3A_13 = arith.constant 157 : i32
      %barrier3A_14 = arith.constant 0 : index
      tpu.barrier barrier_id(%barrier3A_14)
      %mul3A_15 = arith.constant 632 : i32
      %mul3A_16 = arith.muli %arg1, %mul3A_15 : i32
      %mul3A_17 = arith.constant 632 : i32
      %mul3A_18 = arith.muli %arg1, %mul3A_17 : i32
      "tpu.region"() ({
        %run_scoped3A = tpu.sem_alloc : memref<!tpu.dma_semaphore, #tpu.memory_space<semaphore_mem>>
        %dma_start3A = arith.constant 0 : i32
        %dma_start3A_19 = tpu.memref_slice %arg10[%mul3A_18, %dma_start3A] : memref<10112x128xf32, #tpu.memory_space<hbm>> -> memref<632x128xf32, #tpu.memory_space<hbm>>
        %dma_start3A_20 = arith.constant 0 : i32
        %dma_start3A_21 = tpu.memref_slice %arg14[%mul3A_16, %dma_start3A_20] : memref<10112x128xf32, #tpu.memory_space<vmem_shared>> -> memref<632x128xf32, #tpu.memory_space<vmem_shared>>
        tpu.enqueue_dma source(%dma_start3A_21 : memref<632x128xf32, #tpu.memory_space<vmem_shared>>) target(%dma_start3A_19 : memref<632x128xf32, #tpu.memory_space<hbm>>) target_semaphore(%run_scoped3A : memref<!tpu.dma_semaphore, #tpu.memory_space<semaphore_mem>>)
        %dma_wait3A = arith.constant 0 : i32
        %dma_wait3A_22 = tpu.memref_slice %arg10[%mul3A_18, %dma_wait3A] : memref<10112x128xf32, #tpu.memory_space<hbm>> -> memref<632x128xf32, #tpu.memory_space<hbm>>
        %dma_wait3A_23 = arith.constant 0 : i32
        %dma_wait3A_24 = tpu.memref_slice %arg14[%mul3A_16, %dma_wait3A_23] : memref<10112x128xf32, #tpu.memory_space<vmem_shared>> -> memref<632x128xf32, #tpu.memory_space<vmem_shared>>
        tpu.wait_dma2 semaphore(%run_scoped3A : memref<!tpu.dma_semaphore, #tpu.memory_space<semaphore_mem>>) src(%dma_wait3A_24 : memref<632x128xf32, #tpu.memory_space<vmem_shared>>) dst(%dma_wait3A_22 : memref<632x128xf32, #tpu.memory_space<hbm>>)
        tpu.yield
      }) : () -> ()
    } else {
    }
    return
  }
}

#map = affine_map<(d0, d1) -> (0, 0)>
#map1 = affine_map<(d0, d1) -> (0)>
module attributes {stable_mosaic.version = 14 : i64} {
  func.func @scat_kernel(%arg0: i32, %arg1: i32, %arg2: memref<10000x128xf32, #tpu.memory_space<hbm>>, %arg3: memref<321536xi32, #tpu.memory_space<hbm>>, %arg4: memref<321536xi32, #tpu.memory_space<hbm>>, %arg5: memref<10000x128xf32, #tpu.memory_space<hbm>>, %arg6: memref<321536xi32, #tpu.memory_space<hbm>>, %arg7: memref<321536xi32, #tpu.memory_space<hbm>>, %arg8: memref<632x128xf32, #tpu.memory_space<hbm>>, %arg9: memref<10112x128xf32, #tpu.memory_space<hbm>>, %arg10: memref<10112x128xf32, #tpu.memory_space<hbm>>, %arg11: memref<128xi32, #tpu.memory_space<vmem>>, %arg12: memref<128xi32, #tpu.memory_space<vmem>>, %arg13: memref<128x128xf32, #tpu.memory_space<vmem>>, %arg14: memref<10112x128xf32, #tpu.memory_space<vmem_shared>>, %arg15: memref<!tpu.dma_semaphore, #tpu.memory_space<semaphore_mem>>) attributes {dimension_semantics = [#tpu.dimension_semantics<core_parallel>, #tpu.dimension_semantics<subcore_parallel>], iteration_bounds = array<i64: 2, 16>, scalar_prefetch = 0 : i64, scratch_operands = 5 : i64, tpu.core_type = #tpu.core_type<sc_vector_subcore>, window_params = [{transform_indices = #map}, {transform_indices = #map1}, {transform_indices = #map1}, {transform_indices = #map}, {transform_indices = #map1}, {transform_indices = #map1}, {transform_indices = #map}, {transform_indices = #map}, {transform_indices = #map}]} {
    %mul3A = arith.constant 632 : i32
    %mul3A_0 = arith.muli %arg1, %mul3A : i32
    "tpu.region"() ({
      %run_scoped3A = tpu.sem_alloc : memref<!tpu.dma_semaphore, #tpu.memory_space<semaphore_mem>>
      %dma_start3A = arith.constant 0 : i32
      %dma_start3A_8 = tpu.memref_slice %arg14[%mul3A_0, %dma_start3A] : memref<10112x128xf32, #tpu.memory_space<vmem_shared>> -> memref<632x128xf32, #tpu.memory_space<vmem_shared>>
      tpu.enqueue_dma source(%arg8 : memref<632x128xf32, #tpu.memory_space<hbm>>) target(%dma_start3A_8 : memref<632x128xf32, #tpu.memory_space<vmem_shared>>) target_semaphore(%run_scoped3A : memref<!tpu.dma_semaphore, #tpu.memory_space<semaphore_mem>>)
      %dma_wait3A = arith.constant 0 : i32
      %dma_wait3A_9 = tpu.memref_slice %arg14[%mul3A_0, %dma_wait3A] : memref<10112x128xf32, #tpu.memory_space<vmem_shared>> -> memref<632x128xf32, #tpu.memory_space<vmem_shared>>
      tpu.wait_dma2 semaphore(%run_scoped3A : memref<!tpu.dma_semaphore, #tpu.memory_space<semaphore_mem>>) src(%arg8 : memref<632x128xf32, #tpu.memory_space<hbm>>) dst(%dma_wait3A_9 : memref<632x128xf32, #tpu.memory_space<vmem_shared>>)
      tpu.yield
    }) : () -> ()
    %barrier3A = arith.constant 0 : index
    tpu.barrier barrier_id(%barrier3A)
    %eq3A = arith.constant 0 : i32
    %eq3A_1 = arith.cmpi eq, %arg0, %eq3A : i32
    %convert_element_type3A = arith.extui %eq3A_1 : i1 to i32
    %cond3A = arith.constant 0 : i32
    %cond3A_2 = arith.cmpi ne, %convert_element_type3A, %cond3A : i32
    scf.if %cond3A_2 {
      %mul3A_8 = arith.constant 20096 : i32
      %mul3A_9 = arith.muli %arg1, %mul3A_8 : i32
      %scan3A = arith.constant 0 : i32
      %scan3A_10 = arith.constant 157 : i32
      %scan3A_11 = arith.addi %scan3A, %scan3A_10 : i32
      %scan3A_12 = arith.constant 1 : i32
      scf.for %scan3A_19 = %scan3A to %scan3A_11 step %scan3A_12  : i32 {
        %mul3A_20 = arith.constant 1 : i32
        %mul3A_21 = arith.muli %scan3A_19, %mul3A_20 : i32
        %add3A = arith.constant 0 : i32
        %add3A_22 = arith.addi %add3A, %mul3A_21 : i32
        %mul3A_23 = arith.constant 128 : i32
        %mul3A_24 = arith.muli %add3A_22, %mul3A_23 : i32
        %add3A_25 = arith.addi %mul3A_9, %mul3A_24 : i32
        "tpu.region"() ({
          %run_scoped3A = tpu.sem_alloc : memref<!tpu.dma_semaphore, #tpu.memory_space<semaphore_mem>>
          %dma_start3A_30 = tpu.memref_slice %arg3[%add3A_25] : memref<321536xi32, #tpu.memory_space<hbm>> -> memref<128xi32, #tpu.memory_space<hbm>>
          %dma_start3A_31 = tpu.memref_slice %arg3[%add3A_25] : memref<321536xi32, #tpu.memory_space<hbm>> -> memref<128xi32, #tpu.memory_space<hbm>>
          tpu.enqueue_dma source(%dma_start3A_31 : memref<128xi32, #tpu.memory_space<hbm>>) target(%arg11 : memref<128xi32, #tpu.memory_space<vmem>>) target_semaphore(%run_scoped3A : memref<!tpu.dma_semaphore, #tpu.memory_space<semaphore_mem>>)
          %dma_wait3A_32 = tpu.memref_slice %arg3[%add3A_25] : memref<321536xi32, #tpu.memory_space<hbm>> -> memref<128xi32, #tpu.memory_space<hbm>>
          %dma_wait3A_33 = tpu.memref_slice %arg3[%add3A_25] : memref<321536xi32, #tpu.memory_space<hbm>> -> memref<128xi32, #tpu.memory_space<hbm>>
          tpu.wait_dma2 semaphore(%run_scoped3A : memref<!tpu.dma_semaphore, #tpu.memory_space<semaphore_mem>>) src(%dma_wait3A_33 : memref<128xi32, #tpu.memory_space<hbm>>) dst(%arg11 : memref<128xi32, #tpu.memory_space<vmem>>)
          tpu.yield
        }) : () -> ()
        "tpu.region"() ({
          %run_scoped3A = tpu.sem_alloc : memref<!tpu.dma_semaphore, #tpu.memory_space<semaphore_mem>>
          %dma_start3A_30 = tpu.memref_slice %arg4[%add3A_25] : memref<321536xi32, #tpu.memory_space<hbm>> -> memref<128xi32, #tpu.memory_space<hbm>>
          %dma_start3A_31 = tpu.memref_slice %arg4[%add3A_25] : memref<321536xi32, #tpu.memory_space<hbm>> -> memref<128xi32, #tpu.memory_space<hbm>>
          tpu.enqueue_dma source(%dma_start3A_31 : memref<128xi32, #tpu.memory_space<hbm>>) target(%arg12 : memref<128xi32, #tpu.memory_space<vmem>>) target_semaphore(%run_scoped3A : memref<!tpu.dma_semaphore, #tpu.memory_space<semaphore_mem>>)
          %dma_wait3A_32 = tpu.memref_slice %arg4[%add3A_25] : memref<321536xi32, #tpu.memory_space<hbm>> -> memref<128xi32, #tpu.memory_space<hbm>>
          %dma_wait3A_33 = tpu.memref_slice %arg4[%add3A_25] : memref<321536xi32, #tpu.memory_space<hbm>> -> memref<128xi32, #tpu.memory_space<hbm>>
          tpu.wait_dma2 semaphore(%run_scoped3A : memref<!tpu.dma_semaphore, #tpu.memory_space<semaphore_mem>>) src(%dma_wait3A_33 : memref<128xi32, #tpu.memory_space<hbm>>) dst(%arg12 : memref<128xi32, #tpu.memory_space<vmem>>)
          tpu.yield
        }) : () -> ()
        %dma_start3A = arith.constant 0 : i32
        %dma_start3A_26 = arith.constant 0 : i32
        %dma_start3A_27 = tpu.memref_slice %arg2[%dma_start3A, %dma_start3A_26] : memref<10000x128xf32, #tpu.memory_space<hbm>> -> memref<10000x128xf32, #tpu.memory_space<hbm>>
        tpu.enqueue_indirect_dma source(%dma_start3A_27 : memref<10000x128xf32, #tpu.memory_space<hbm>>) target(%arg13 : memref<128x128xf32, #tpu.memory_space<vmem>>) offsets(%arg11 : memref<128xi32, #tpu.memory_space<vmem>>) semaphore(%arg15 : memref<!tpu.dma_semaphore, #tpu.memory_space<semaphore_mem>>)
        %dma_wait3A = arith.constant 0 : i32
        %dma_wait3A_28 = arith.constant 0 : i32
        %dma_wait3A_29 = tpu.memref_slice %arg2[%dma_wait3A, %dma_wait3A_28] : memref<10000x128xf32, #tpu.memory_space<hbm>> -> memref<10000x128xf32, #tpu.memory_space<hbm>>
        tpu.wait_indirect_dma semaphore(%arg15 : memref<!tpu.dma_semaphore, #tpu.memory_space<semaphore_mem>>) src(%dma_wait3A_29 : memref<10000x128xf32, #tpu.memory_space<hbm>>) dst(%arg13 : memref<128x128xf32, #tpu.memory_space<vmem>>)
        "tpu.region"() ({
          %run_scoped3A = tpu.sem_alloc : memref<!tpu.dma_semaphore, #tpu.memory_space<semaphore_mem>>
          %dma_start3A_30 = arith.constant 0 : i32
          %dma_start3A_31 = arith.constant 0 : i32
          %dma_start3A_32 = tpu.memref_slice %arg14[%dma_start3A_30, %dma_start3A_31] : memref<10112x128xf32, #tpu.memory_space<vmem_shared>> -> memref<10112x128xf32, #tpu.memory_space<vmem_shared>>
          tpu.enqueue_indirect_dma source(%arg13 : memref<128x128xf32, #tpu.memory_space<vmem>>) target(%dma_start3A_32 : memref<10112x128xf32, #tpu.memory_space<vmem_shared>>) offsets(%arg12 : memref<128xi32, #tpu.memory_space<vmem>>) semaphore(%run_scoped3A : memref<!tpu.dma_semaphore, #tpu.memory_space<semaphore_mem>>) {add = true}
          %dma_wait3A_33 = arith.constant 0 : i32
          %dma_wait3A_34 = arith.constant 0 : i32
          %dma_wait3A_35 = tpu.memref_slice %arg14[%dma_wait3A_33, %dma_wait3A_34] : memref<10112x128xf32, #tpu.memory_space<vmem_shared>> -> memref<10112x128xf32, #tpu.memory_space<vmem_shared>>
          tpu.wait_indirect_dma semaphore(%run_scoped3A : memref<!tpu.dma_semaphore, #tpu.memory_space<semaphore_mem>>) src(%arg13 : memref<128x128xf32, #tpu.memory_space<vmem>>) dst(%dma_wait3A_35 : memref<10112x128xf32, #tpu.memory_space<vmem_shared>>)
          tpu.yield
        }) : () -> ()
      }
      %scan3A_13 = arith.constant 157 : i32
      %barrier3A_14 = arith.constant 0 : index
      tpu.barrier barrier_id(%barrier3A_14)
      %mul3A_15 = arith.constant 632 : i32
      %mul3A_16 = arith.muli %arg1, %mul3A_15 : i32
      %mul3A_17 = arith.constant 632 : i32
      %mul3A_18 = arith.muli %arg1, %mul3A_17 : i32
      "tpu.region"() ({
        %run_scoped3A = tpu.sem_alloc : memref<!tpu.dma_semaphore, #tpu.memory_space<semaphore_mem>>
        %dma_start3A = arith.constant 0 : i32
        %dma_start3A_19 = tpu.memref_slice %arg9[%mul3A_18, %dma_start3A] : memref<10112x128xf32, #tpu.memory_space<hbm>> -> memref<632x128xf32, #tpu.memory_space<hbm>>
        %dma_start3A_20 = arith.constant 0 : i32
        %dma_start3A_21 = tpu.memref_slice %arg14[%mul3A_16, %dma_start3A_20] : memref<10112x128xf32, #tpu.memory_space<vmem_shared>> -> memref<632x128xf32, #tpu.memory_space<vmem_shared>>
        tpu.enqueue_dma source(%dma_start3A_21 : memref<632x128xf32, #tpu.memory_space<vmem_shared>>) target(%dma_start3A_19 : memref<632x128xf32, #tpu.memory_space<hbm>>) target_semaphore(%run_scoped3A : memref<!tpu.dma_semaphore, #tpu.memory_space<semaphore_mem>>)
        %dma_wait3A = arith.constant 0 : i32
        %dma_wait3A_22 = tpu.memref_slice %arg9[%mul3A_18, %dma_wait3A] : memref<10112x128xf32, #tpu.memory_space<hbm>> -> memref<632x128xf32, #tpu.memory_space<hbm>>
        %dma_wait3A_23 = arith.constant 0 : i32
        %dma_wait3A_24 = tpu.memref_slice %arg14[%mul3A_16, %dma_wait3A_23] : memref<10112x128xf32, #tpu.memory_space<vmem_shared>> -> memref<632x128xf32, #tpu.memory_space<vmem_shared>>
        tpu.wait_dma2 semaphore(%run_scoped3A : memref<!tpu.dma_semaphore, #tpu.memory_space<semaphore_mem>>) src(%dma_wait3A_24 : memref<632x128xf32, #tpu.memory_space<vmem_shared>>) dst(%dma_wait3A_22 : memref<632x128xf32, #tpu.memory_space<hbm>>)
        tpu.yield
      }) : () -> ()
    } else {
    }
    %eq3A_3 = arith.constant 1 : i32
    %eq3A_4 = arith.cmpi eq, %arg0, %eq3A_3 : i32
    %convert_element_type3A_5 = arith.extui %eq3A_4 : i1 to i32
    %cond3A_6 = arith.constant 0 : i32
    %cond3A_7 = arith.cmpi ne, %convert_element_type3A_5, %cond3A_6 : i32
    scf.if %cond3A_7 {
      %mul3A_8 = arith.constant 20096 : i32
      %mul3A_9 = arith.muli %arg1, %mul3A_8 : i32
      %scan3A = arith.constant 0 : i32
      %scan3A_10 = arith.constant 157 : i32
      %scan3A_11 = arith.addi %scan3A, %scan3A_10 : i32
      %scan3A_12 = arith.constant 1 : i32
      scf.for %scan3A_19 = %scan3A to %scan3A_11 step %scan3A_12  : i32 {
        %mul3A_20 = arith.constant 1 : i32
        %mul3A_21 = arith.muli %scan3A_19, %mul3A_20 : i32
        %add3A = arith.constant 0 : i32
        %add3A_22 = arith.addi %add3A, %mul3A_21 : i32
        %mul3A_23 = arith.constant 128 : i32
        %mul3A_24 = arith.muli %add3A_22, %mul3A_23 : i32
        %add3A_25 = arith.addi %mul3A_9, %mul3A_24 : i32
        "tpu.region"() ({
          %run_scoped3A = tpu.sem_alloc : memref<!tpu.dma_semaphore, #tpu.memory_space<semaphore_mem>>
          %dma_start3A_30 = tpu.memref_slice %arg6[%add3A_25] : memref<321536xi32, #tpu.memory_space<hbm>> -> memref<128xi32, #tpu.memory_space<hbm>>
          %dma_start3A_31 = tpu.memref_slice %arg6[%add3A_25] : memref<321536xi32, #tpu.memory_space<hbm>> -> memref<128xi32, #tpu.memory_space<hbm>>
          tpu.enqueue_dma source(%dma_start3A_31 : memref<128xi32, #tpu.memory_space<hbm>>) target(%arg11 : memref<128xi32, #tpu.memory_space<vmem>>) target_semaphore(%run_scoped3A : memref<!tpu.dma_semaphore, #tpu.memory_space<semaphore_mem>>)
          %dma_wait3A_32 = tpu.memref_slice %arg6[%add3A_25] : memref<321536xi32, #tpu.memory_space<hbm>> -> memref<128xi32, #tpu.memory_space<hbm>>
          %dma_wait3A_33 = tpu.memref_slice %arg6[%add3A_25] : memref<321536xi32, #tpu.memory_space<hbm>> -> memref<128xi32, #tpu.memory_space<hbm>>
          tpu.wait_dma2 semaphore(%run_scoped3A : memref<!tpu.dma_semaphore, #tpu.memory_space<semaphore_mem>>) src(%dma_wait3A_33 : memref<128xi32, #tpu.memory_space<hbm>>) dst(%arg11 : memref<128xi32, #tpu.memory_space<vmem>>)
          tpu.yield
        }) : () -> ()
        "tpu.region"() ({
          %run_scoped3A = tpu.sem_alloc : memref<!tpu.dma_semaphore, #tpu.memory_space<semaphore_mem>>
          %dma_start3A_30 = tpu.memref_slice %arg7[%add3A_25] : memref<321536xi32, #tpu.memory_space<hbm>> -> memref<128xi32, #tpu.memory_space<hbm>>
          %dma_start3A_31 = tpu.memref_slice %arg7[%add3A_25] : memref<321536xi32, #tpu.memory_space<hbm>> -> memref<128xi32, #tpu.memory_space<hbm>>
          tpu.enqueue_dma source(%dma_start3A_31 : memref<128xi32, #tpu.memory_space<hbm>>) target(%arg12 : memref<128xi32, #tpu.memory_space<vmem>>) target_semaphore(%run_scoped3A : memref<!tpu.dma_semaphore, #tpu.memory_space<semaphore_mem>>)
          %dma_wait3A_32 = tpu.memref_slice %arg7[%add3A_25] : memref<321536xi32, #tpu.memory_space<hbm>> -> memref<128xi32, #tpu.memory_space<hbm>>
          %dma_wait3A_33 = tpu.memref_slice %arg7[%add3A_25] : memref<321536xi32, #tpu.memory_space<hbm>> -> memref<128xi32, #tpu.memory_space<hbm>>
          tpu.wait_dma2 semaphore(%run_scoped3A : memref<!tpu.dma_semaphore, #tpu.memory_space<semaphore_mem>>) src(%dma_wait3A_33 : memref<128xi32, #tpu.memory_space<hbm>>) dst(%arg12 : memref<128xi32, #tpu.memory_space<vmem>>)
          tpu.yield
        }) : () -> ()
        %dma_start3A = arith.constant 0 : i32
        %dma_start3A_26 = arith.constant 0 : i32
        %dma_start3A_27 = tpu.memref_slice %arg5[%dma_start3A, %dma_start3A_26] : memref<10000x128xf32, #tpu.memory_space<hbm>> -> memref<10000x128xf32, #tpu.memory_space<hbm>>
        tpu.enqueue_indirect_dma source(%dma_start3A_27 : memref<10000x128xf32, #tpu.memory_space<hbm>>) target(%arg13 : memref<128x128xf32, #tpu.memory_space<vmem>>) offsets(%arg11 : memref<128xi32, #tpu.memory_space<vmem>>) semaphore(%arg15 : memref<!tpu.dma_semaphore, #tpu.memory_space<semaphore_mem>>)
        %dma_wait3A = arith.constant 0 : i32
        %dma_wait3A_28 = arith.constant 0 : i32
        %dma_wait3A_29 = tpu.memref_slice %arg5[%dma_wait3A, %dma_wait3A_28] : memref<10000x128xf32, #tpu.memory_space<hbm>> -> memref<10000x128xf32, #tpu.memory_space<hbm>>
        tpu.wait_indirect_dma semaphore(%arg15 : memref<!tpu.dma_semaphore, #tpu.memory_space<semaphore_mem>>) src(%dma_wait3A_29 : memref<10000x128xf32, #tpu.memory_space<hbm>>) dst(%arg13 : memref<128x128xf32, #tpu.memory_space<vmem>>)
        "tpu.region"() ({
          %run_scoped3A = tpu.sem_alloc : memref<!tpu.dma_semaphore, #tpu.memory_space<semaphore_mem>>
          %dma_start3A_30 = arith.constant 0 : i32
          %dma_start3A_31 = arith.constant 0 : i32
          %dma_start3A_32 = tpu.memref_slice %arg14[%dma_start3A_30, %dma_start3A_31] : memref<10112x128xf32, #tpu.memory_space<vmem_shared>> -> memref<10112x128xf32, #tpu.memory_space<vmem_shared>>
          tpu.enqueue_indirect_dma source(%arg13 : memref<128x128xf32, #tpu.memory_space<vmem>>) target(%dma_start3A_32 : memref<10112x128xf32, #tpu.memory_space<vmem_shared>>) offsets(%arg12 : memref<128xi32, #tpu.memory_space<vmem>>) semaphore(%run_scoped3A : memref<!tpu.dma_semaphore, #tpu.memory_space<semaphore_mem>>) {add = true}
          %dma_wait3A_33 = arith.constant 0 : i32
          %dma_wait3A_34 = arith.constant 0 : i32
          %dma_wait3A_35 = tpu.memref_slice %arg14[%dma_wait3A_33, %dma_wait3A_34] : memref<10112x128xf32, #tpu.memory_space<vmem_shared>> -> memref<10112x128xf32, #tpu.memory_space<vmem_shared>>
          tpu.wait_indirect_dma semaphore(%run_scoped3A : memref<!tpu.dma_semaphore, #tpu.memory_space<semaphore_mem>>) src(%arg13 : memref<128x128xf32, #tpu.memory_space<vmem>>) dst(%dma_wait3A_35 : memref<10112x128xf32, #tpu.memory_space<vmem_shared>>)
          tpu.yield
        }) : () -> ()
      }
      %scan3A_13 = arith.constant 157 : i32
      %barrier3A_14 = arith.constant 0 : index
      tpu.barrier barrier_id(%barrier3A_14)
      %mul3A_15 = arith.constant 632 : i32
      %mul3A_16 = arith.muli %arg1, %mul3A_15 : i32
      %mul3A_17 = arith.constant 632 : i32
      %mul3A_18 = arith.muli %arg1, %mul3A_17 : i32
      "tpu.region"() ({
        %run_scoped3A = tpu.sem_alloc : memref<!tpu.dma_semaphore, #tpu.memory_space<semaphore_mem>>
        %dma_start3A = arith.constant 0 : i32
        %dma_start3A_19 = tpu.memref_slice %arg10[%mul3A_18, %dma_start3A] : memref<10112x128xf32, #tpu.memory_space<hbm>> -> memref<632x128xf32, #tpu.memory_space<hbm>>
        %dma_start3A_20 = arith.constant 0 : i32
        %dma_start3A_21 = tpu.memref_slice %arg14[%mul3A_16, %dma_start3A_20] : memref<10112x128xf32, #tpu.memory_space<vmem_shared>> -> memref<632x128xf32, #tpu.memory_space<vmem_shared>>
        tpu.enqueue_dma source(%dma_start3A_21 : memref<632x128xf32, #tpu.memory_space<vmem_shared>>) target(%dma_start3A_19 : memref<632x128xf32, #tpu.memory_space<hbm>>) target_semaphore(%run_scoped3A : memref<!tpu.dma_semaphore, #tpu.memory_space<semaphore_mem>>)
        %dma_wait3A = arith.constant 0 : i32
        %dma_wait3A_22 = tpu.memref_slice %arg10[%mul3A_18, %dma_wait3A] : memref<10112x128xf32, #tpu.memory_space<hbm>> -> memref<632x128xf32, #tpu.memory_space<hbm>>
        %dma_wait3A_23 = arith.constant 0 : i32
        %dma_wait3A_24 = tpu.memref_slice %arg14[%mul3A_16, %dma_wait3A_23] : memref<10112x128xf32, #tpu.memory_space<vmem_shared>> -> memref<632x128xf32, #tpu.memory_space<vmem_shared>>
        tpu.wait_dma2 semaphore(%run_scoped3A : memref<!tpu.dma_semaphore, #tpu.memory_space<semaphore_mem>>) src(%dma_wait3A_24 : memref<632x128xf32, #tpu.memory_space<vmem_shared>>) dst(%dma_wait3A_22 : memref<632x128xf32, #tpu.memory_space<hbm>>)
        tpu.yield
      }) : () -> ()
    } else {
    }
    return
  }
}

module attributes {stable_mosaic.version = 14 : i64} {
  func.func @body(%arg0: i32, %arg1: memref<2000x128xf32, #tpu.memory_space<vmem>>, %arg2: memref<128x128xf32, #tpu.memory_space<vmem>>, %arg3: memref<2000x128xf32, #tpu.memory_space<vmem>>, %arg4: memref<2000x128xf32, #tpu.memory_space<vmem>>) attributes {dimension_semantics = [#tpu.dimension_semantics<arbitrary>], iteration_bounds = array<i64: 5>, scalar_prefetch = 0 : i64, scratch_operands = 0 : i64, tpu.core_type = #tpu.core_type<tc>, window_params = [{transform_indices = @transform_0, window_bounds = array<i64: 2000, 128>}, {pipeline_mode = #tpu.pipeline_mode<synchronous>, transform_indices = @transform_1, window_bounds = array<i64: 128, 128>}, {transform_indices = @transform_2, window_bounds = array<i64: 2000, 128>}, {transform_indices = @transform_3, window_bounds = array<i64: 2000, 128>}]} {
    %get3A = arith.constant 0 : index
    %get3A_0 = arith.constant 0 : index
    %get3A_1 = vector.load %arg3[%get3A, %get3A_0] : memref<2000x128xf32, #tpu.memory_space<vmem>>, vector<2000x1xf32>
    %add3A = arith.constant 1.000000e+00 : f32
    %add3A_2 = vector.broadcast %add3A : f32 to vector<2000x1xf32>
    %add3A_3 = arith.addf %get3A_1, %add3A_2 : vector<2000x1xf32>
    %rsqrt3A = math.rsqrt %add3A_3 : vector<2000x1xf32>
    %get3A_4 = arith.constant 0 : index
    %get3A_5 = arith.constant 0 : index
    %get3A_6 = vector.load %arg1[%get3A_4, %get3A_5] : memref<2000x128xf32, #tpu.memory_space<vmem>>, vector<2000x128xf32>
    %get3A_7 = arith.constant 0 : index
    %get3A_8 = arith.constant 0 : index
    %get3A_9 = vector.load %arg2[%get3A_7, %get3A_8] : memref<128x128xf32, #tpu.memory_space<vmem>>, vector<128x128xf32>
    %dot_general3A = arith.constant dense<0.000000e+00> : vector<2000x128xf32>
    %dot_general3A_10 = tpu.matmul %get3A_6, %get3A_9, %dot_general3A {dimension_numbers = #tpu.dot_dimension_numbers<[1], [0], [0], [1], [0, 0, 1, 1], [], []>, precision = #tpu.contract_precision<fp32>, transpose_lhs_hint = false} : vector<2000x128xf32>, vector<128x128xf32>, vector<2000x128xf32> -> vector<2000x128xf32>
    %mul3A = vector.broadcast %rsqrt3A : vector<2000x1xf32> to vector<2000x128xf32>
    %mul3A_11 = arith.mulf %mul3A, %dot_general3A_10 : vector<2000x128xf32>
    %swap3A = arith.constant 0 : index
    %swap3A_12 = arith.constant 0 : index
    %swap3A_13 = vector.load %arg4[%swap3A, %swap3A_12] : memref<2000x128xf32, #tpu.memory_space<vmem>>, vector<2000x128xf32>
    tpu.vector_store %arg4[%swap3A, %swap3A_12], %mul3A_11 {strides = array<i32>} : memref<2000x128xf32, #tpu.memory_space<vmem>>, vector<2000x128xf32>,
    return
  }
  func.func @transform_0(%arg0: i32) -> (i32, i32) {
    %c0_i32 = arith.constant 0 : i32
    %c0_i32_0 = arith.constant 0 : i32
    return %arg0, %c0_i32 : i32, i32
  }
  func.func @transform_1(%arg0: i32) -> (i32, i32) {
    %c0_i32 = arith.constant 0 : i32
    %c0_i32_0 = arith.constant 0 : i32
    %c0_i32_1 = arith.constant 0 : i32
    return %c0_i32, %c0_i32_0 : i32, i32
  }
  func.func @transform_2(%arg0: i32) -> (i32, i32) {
    %c0_i32 = arith.constant 0 : i32
    %c0_i32_0 = arith.constant 0 : i32
    return %arg0, %c0_i32 : i32, i32
  }
  func.func @transform_3(%arg0: i32) -> (i32, i32) {
    %c0_i32 = arith.constant 0 : i32
    %c0_i32_0 = arith.constant 0 : i32
    return %arg0, %c0_i32 : i32, i32
  }
}

module attributes {stable_mosaic.version = 14 : i64} {
  func.func @body(%arg0: i32, %arg1: memref<2000x128xf32, #tpu.memory_space<vmem>>, %arg2: memref<2000x128xf32, #tpu.memory_space<vmem>>, %arg3: memref<2000x128xf32, #tpu.memory_space<vmem>>, %arg4: memref<1x128xf32, #tpu.memory_space<vmem>>, %arg5: memref<128x128xf32, #tpu.memory_space<vmem>>, %arg6: memref<2000x128xf32, #tpu.memory_space<vmem>>) attributes {dimension_semantics = [#tpu.dimension_semantics<arbitrary>], iteration_bounds = array<i64: 5>, scalar_prefetch = 0 : i64, scratch_operands = 0 : i64, tpu.core_type = #tpu.core_type<tc>, window_params = [{transform_indices = @transform_0, window_bounds = array<i64: 2000, 128>}, {transform_indices = @transform_1, window_bounds = array<i64: 2000, 128>}, {transform_indices = @transform_2, window_bounds = array<i64: 2000, 128>}, {pipeline_mode = #tpu.pipeline_mode<synchronous>, transform_indices = @transform_3, window_bounds = array<i64: 1, 128>}, {pipeline_mode = #tpu.pipeline_mode<synchronous>, transform_indices = @transform_4, window_bounds = array<i64: 128, 128>}, {transform_indices = @transform_5, window_bounds = array<i64: 2000, 128>}]} {
    %get3A = arith.constant 0 : index
    %get3A_0 = arith.constant 0 : index
    %get3A_1 = vector.load %arg3[%get3A, %get3A_0] : memref<2000x128xf32, #tpu.memory_space<vmem>>, vector<2000x1xf32>
    %add3A = arith.constant 1.000000e+00 : f32
    %add3A_2 = vector.broadcast %add3A : f32 to vector<2000x1xf32>
    %add3A_3 = arith.addf %get3A_1, %add3A_2 : vector<2000x1xf32>
    %rsqrt3A = math.rsqrt %add3A_3 : vector<2000x1xf32>
    %get3A_4 = arith.constant 0 : index
    %get3A_5 = arith.constant 0 : index
    %get3A_6 = vector.load %arg1[%get3A_4, %get3A_5] : memref<2000x128xf32, #tpu.memory_space<vmem>>, vector<2000x128xf32>
    %get3A_7 = arith.constant 0 : index
    %get3A_8 = arith.constant 0 : index
    %get3A_9 = vector.load %arg2[%get3A_7, %get3A_8] : memref<2000x128xf32, #tpu.memory_space<vmem>>, vector<2000x128xf32>
    %add3A_10 = arith.addf %get3A_6, %get3A_9 : vector<2000x128xf32>
    %mul3A = vector.broadcast %rsqrt3A : vector<2000x1xf32> to vector<2000x128xf32>
    %mul3A_11 = arith.mulf %mul3A, %add3A_10 : vector<2000x128xf32>
    %get3A_12 = arith.constant 0 : index
    %get3A_13 = arith.constant 0 : index
    %get3A_14 = vector.load %arg4[%get3A_12, %get3A_13] : memref<1x128xf32, #tpu.memory_space<vmem>>, vector<1x128xf32>
    %add3A_15 = vector.broadcast %get3A_14 : vector<1x128xf32> to vector<2000x128xf32>
    %add3A_16 = arith.addf %mul3A_11, %add3A_15 : vector<2000x128xf32>
    %max3A = arith.constant 0.000000e+00 : f32
    %max3A_17 = vector.broadcast %max3A : f32 to vector<2000x128xf32>
    %max3A_18 = arith.maximumf %add3A_16, %max3A_17 : vector<2000x128xf32>
    %get3A_19 = arith.constant 0 : index
    %get3A_20 = arith.constant 0 : index
    %get3A_21 = vector.load %arg5[%get3A_19, %get3A_20] : memref<128x128xf32, #tpu.memory_space<vmem>>, vector<128x128xf32>
    %dot_general3A = arith.constant dense<0.000000e+00> : vector<2000x128xf32>
    %dot_general3A_22 = tpu.matmul %max3A_18, %get3A_21, %dot_general3A {dimension_numbers = #tpu.dot_dimension_numbers<[1], [0], [0], [1], [0, 0, 1, 1], [], []>, precision = #tpu.contract_precision<fp32>, transpose_lhs_hint = false} : vector<2000x128xf32>, vector<128x128xf32>, vector<2000x128xf32> -> vector<2000x128xf32>
    %mul3A_23 = vector.broadcast %rsqrt3A : vector<2000x1xf32> to vector<2000x128xf32>
    %mul3A_24 = arith.mulf %mul3A_23, %dot_general3A_22 : vector<2000x128xf32>
    %swap3A = arith.constant 0 : index
    %swap3A_25 = arith.constant 0 : index
    %swap3A_26 = vector.load %arg6[%swap3A, %swap3A_25] : memref<2000x128xf32, #tpu.memory_space<vmem>>, vector<2000x128xf32>
    tpu.vector_store %arg6[%swap3A, %swap3A_25], %mul3A_24 {strides = array<i32>} : memref<2000x128xf32, #tpu.memory_space<vmem>>, vector<2000x128xf32>,
    return
  }
  func.func @transform_0(%arg0: i32) -> (i32, i32) {
    %c0_i32 = arith.constant 0 : i32
    %c0_i32_0 = arith.constant 0 : i32
    return %arg0, %c0_i32 : i32, i32
  }
  func.func @transform_1(%arg0: i32) -> (i32, i32) {
    %c0_i32 = arith.constant 0 : i32
    %c0_i32_0 = arith.constant 0 : i32
    return %arg0, %c0_i32 : i32, i32
  }
  func.func @transform_2(%arg0: i32) -> (i32, i32) {
    %c0_i32 = arith.constant 0 : i32
    %c0_i32_0 = arith.constant 0 : i32
    return %arg0, %c0_i32 : i32, i32
  }
  func.func @transform_3(%arg0: i32) -> (i32, i32) {
    %c0_i32 = arith.constant 0 : i32
    %c0_i32_0 = arith.constant 0 : i32
    %c0_i32_1 = arith.constant 0 : i32
    return %c0_i32, %c0_i32_0 : i32, i32
  }
  func.func @transform_4(%arg0: i32) -> (i32, i32) {
    %c0_i32 = arith.constant 0 : i32
    %c0_i32_0 = arith.constant 0 : i32
    %c0_i32_1 = arith.constant 0 : i32
    return %c0_i32, %c0_i32_0 : i32, i32
  }
  func.func @transform_5(%arg0: i32) -> (i32, i32) {
    %c0_i32 = arith.constant 0 : i32
    %c0_i32_0 = arith.constant 0 : i32
    return %arg0, %c0_i32 : i32, i32
  }
}

module attributes {stable_mosaic.version = 14 : i64} {
  func.func @body(%arg0: i32, %arg1: memref<2000x128xf32, #tpu.memory_space<vmem>>, %arg2: memref<2000x128xf32, #tpu.memory_space<vmem>>, %arg3: memref<2000x128xf32, #tpu.memory_space<vmem>>, %arg4: memref<1x128xf32, #tpu.memory_space<vmem>>, %arg5: memref<2000x128xf32, #tpu.memory_space<vmem>>) attributes {dimension_semantics = [#tpu.dimension_semantics<arbitrary>], iteration_bounds = array<i64: 5>, scalar_prefetch = 0 : i64, scratch_operands = 0 : i64, tpu.core_type = #tpu.core_type<tc>, window_params = [{transform_indices = @transform_0, window_bounds = array<i64: 2000, 128>}, {transform_indices = @transform_1, window_bounds = array<i64: 2000, 128>}, {transform_indices = @transform_2, window_bounds = array<i64: 2000, 128>}, {pipeline_mode = #tpu.pipeline_mode<synchronous>, transform_indices = @transform_3, window_bounds = array<i64: 1, 128>}, {transform_indices = @transform_4, window_bounds = array<i64: 2000, 128>}]} {
    %get3A = arith.constant 0 : index
    %get3A_0 = arith.constant 0 : index
    %get3A_1 = vector.load %arg3[%get3A, %get3A_0] : memref<2000x128xf32, #tpu.memory_space<vmem>>, vector<2000x1xf32>
    %add3A = arith.constant 1.000000e+00 : f32
    %add3A_2 = vector.broadcast %add3A : f32 to vector<2000x1xf32>
    %add3A_3 = arith.addf %get3A_1, %add3A_2 : vector<2000x1xf32>
    %rsqrt3A = math.rsqrt %add3A_3 : vector<2000x1xf32>
    %get3A_4 = arith.constant 0 : index
    %get3A_5 = arith.constant 0 : index
    %get3A_6 = vector.load %arg1[%get3A_4, %get3A_5] : memref<2000x128xf32, #tpu.memory_space<vmem>>, vector<2000x128xf32>
    %get3A_7 = arith.constant 0 : index
    %get3A_8 = arith.constant 0 : index
    %get3A_9 = vector.load %arg2[%get3A_7, %get3A_8] : memref<2000x128xf32, #tpu.memory_space<vmem>>, vector<2000x128xf32>
    %add3A_10 = arith.addf %get3A_6, %get3A_9 : vector<2000x128xf32>
    %mul3A = vector.broadcast %rsqrt3A : vector<2000x1xf32> to vector<2000x128xf32>
    %mul3A_11 = arith.mulf %mul3A, %add3A_10 : vector<2000x128xf32>
    %get3A_12 = arith.constant 0 : index
    %get3A_13 = arith.constant 0 : index
    %get3A_14 = vector.load %arg4[%get3A_12, %get3A_13] : memref<1x128xf32, #tpu.memory_space<vmem>>, vector<1x128xf32>
    %add3A_15 = vector.broadcast %get3A_14 : vector<1x128xf32> to vector<2000x128xf32>
    %add3A_16 = arith.addf %mul3A_11, %add3A_15 : vector<2000x128xf32>
    %swap3A = arith.constant 0 : index
    %swap3A_17 = arith.constant 0 : index
    %swap3A_18 = vector.load %arg5[%swap3A, %swap3A_17] : memref<2000x128xf32, #tpu.memory_space<vmem>>, vector<2000x128xf32>
    tpu.vector_store %arg5[%swap3A, %swap3A_17], %add3A_16 {strides = array<i32>} : memref<2000x128xf32, #tpu.memory_space<vmem>>, vector<2000x128xf32>,
    return
  }
  func.func @transform_0(%arg0: i32) -> (i32, i32) {
    %c0_i32 = arith.constant 0 : i32
    %c0_i32_0 = arith.constant 0 : i32
    return %arg0, %c0_i32 : i32, i32
  }
  func.func @transform_1(%arg0: i32) -> (i32, i32) {
    %c0_i32 = arith.constant 0 : i32
    %c0_i32_0 = arith.constant 0 : i32
    return %arg0, %c0_i32 : i32, i32
  }
  func.func @transform_2(%arg0: i32) -> (i32, i32) {
    %c0_i32 = arith.constant 0 : i32
    %c0_i32_0 = arith.constant 0 : i32
    return %arg0, %c0_i32 : i32, i32
  }
  func.func @transform_3(%arg0: i32) -> (i32, i32) {
    %c0_i32 = arith.constant 0 : i32
    %c0_i32_0 = arith.constant 0 : i32
    %c0_i32_1 = arith.constant 0 : i32
    return %c0_i32, %c0_i32_0 : i32, i32
  }
  func.func @transform_4(%arg0: i32) -> (i32, i32) {
    %c0_i32 = arith.constant 0 : i32
    %c0_i32_0 = arith.constant 0 : i32
    return %arg0, %c0_i32 : i32, i32
  }
}

</mosaic_0001>

<sc_bundles>
// kernel: kernel.11.cloned.1.call-start
scs
__scs_entry_jumppad:
0x0: {  	(pc) =	sbr.rel $0x88, $3  }
0x1: {  	(tag) =	ssettag $0x0;
	lr =	simm.s32 $0x1  }
0x2: {  	[smem:$0x3F95] =	sst lr;
	_ =	strace $0xD0000000  }
0x3: {  	_ = 	snop  }
0x4: {  	_ = 	snop  }
0x5: {  	_ = 	snop  }
0x6: {  	_ = 	snop  }
0x7: {  	_ = 	snop  }
__scs_overlays_trampoline_lowered:
0x8: {  	[smem:$0x3FA4] =	sst s0  }
0x9: {  	[smem:$0x3FA5] =	sst s1  }
0xa: {  	[smem:$0x3FA6] =	sst s2  }
0xb: {  	[smem:$0x3FA7] =	sst s3  }
0xc: {  	[smem:$0x3FA8] =	sst s4  }
0xd: {  	[smem:$0x3FA9] =	sst s5  }
0xe: {  	[smem:$0x3FAA] =	sst s6  }
0xf: {  	[smem:$0x3FAB] =	sst s7  }
0x10: {  	[smem:$0x3FAC] =	sst s8  }
0x11: {  	[smem:$0x3FAD] =	sst s9;
	s0 =	simm.s32 @!p0 $0x0  }
0x12: {  	s1 =	sld [smem:$0x3F93];
	s0 =	simm.s32 @p0 $0x1  }
0x13: {  	[smem:$0x3FAE] =	sst s0;
	s0 =	simm.s32 @!p1 $0x0  }
0x14: {  	s2 =	sld [smem:$0x3F92];
	s0 =	simm.s32 @p1 $0x1  }
0x15: {  	[smem:$0x3FAF] =	sst s0;
	s0 =	simm.s32 @!p2 $0x0  }
0x16: {  	s3 =	sld [smem:$0x3FDB];
	s0 =	simm.s32 @p2 $0x1  }
0x17: {  	s4 =	simm.s32 $0x1BF5;
	[smem:$0x3FB1] =	sst s0  }
0x18: {  	s0 =	sld [smem:$0x3F94];
	_ =	swait.ge [sflag:s4], $0x0  }
0x19: {  	s7 =	sld [smem:$0x3F95]  }
0x1a: {  	s8 =	sadd.s32 $0xFFFFE003, lr  }
0x1b: {  	s9 =	sadd.s32 $0xFFFFFEF7, lr;
	s5 =	simm.s32 $0xFFFFFFFF;
	p2 =	slt.u32 s8, $0xFFFFF086  }
0x1c: {  	p1 =	slt.u32 s9, $0xF7A;
	s5 =	simm.s32 @!p2 $0x0  }
0x1d: {  	s5 =	simm.s32 @p1 $0x1;
	p0 =	seq.s32 s7, s2  }
0x1e: {  	s7 =	smul.u32 @!p0 $0xF7A, s2;
	p2 =	seq.s32 @!p0 s5, $0x0  }
0x1f: {  	s9 =	smul.u32 $0xF7A, s1;
	s8 =	simm.s32 @!p0 $0x1BF5;
	p2 =	por !p2, p0  }
0x20: {  	[sflag:s8] =	ssyncset.s32 @!p0 $0xFFFFF086;
	s6 =	sadd.s32 @!p0 s3, s7;
	s7 =	simm.s32 @!p0 $0x108  }
0x21: {  	s3 =	sadd.s32 s3, s9;
	s6 =	sadd.s32 @!p0 $0x88, s6;
	s7 =	simm.s32 @p2 $0x1082  }
0x22: {  	[simem:s7], [sflag:s8] =	dma.local @!p0 [hbm:s6], $0xF7A  }
0x23: {  	s9 =	sor.u32 $0xD0000000, s2;
	s6 =	simm.s32 $0x108;
	_ =	swait.ge @!p0 [sflag:s8], $0x0  }
0x24: {  	s3 =	sadd.s32 $0x88, s3;
	s6 =	simm.s32 @!p1 $0x1082;
	[sflag:s4] =	ssyncset.s32 $0xFFFFF086  }
0x25: {  	[simem:s6], [sflag:s4] =	dma.local [hbm:s3], $0xF7A  }
0x26: {  	[smem:$0x3F95] =	sst s1;
	(tag) =	ssettag s2;
	_ =	strace s9  }
0x27: {  	s1 =	sld [smem:$0x3FA5]  }
0x28: {  	s2 =	sld [smem:$0x3FA6]  }
0x29: {  	s4 =	sld [smem:$0x3FA8]  }
0x2a: {  	p0 =	seq.s32 s5, $0x0;
	s5 =	sld [smem:$0x3FA9]  }
0x2b: {  	s6 =	sld [smem:$0x3FAA]  }
0x2c: {  	s7 =	sld [smem:$0x3FAB]  }
0x2d: {  	s3 =	simm.s32 $0x108;
	s8 =	sld [smem:$0x3FAC]  }
0x2e: {  	s3 =	simm.s32 @!p0 $0x1082;
	s9 =	sld [smem:$0x3FAD]  }
0x2f: {  	lr =	sadd.s32 s0, s3;
	s0 =	sld [smem:$0x3FA4]  }
0x30: {  	s3 =	sld [smem:$0x3FA7]  }
0x31: {  	[smem:$0x3FB0] =	sst s10  }
0x32: {  	s10 =	sld [smem:$0x3FAE];
	_ =	sdelay $0x3  }
0x33: {  	p0 =	seq.s32 s10, $0x1;
	s10 =	sld [smem:$0x3FB0];
	_ =	sdelay $0x3  }
0x34: {  	[smem:$0x3FB0] =	sst s10  }
0x35: {  	s10 =	sld [smem:$0x3FAF];
	_ =	sdelay $0x3  }
0x36: {  	p1 =	seq.s32 s10, $0x1;
	s10 =	sld [smem:$0x3FB0];
	_ =	sdelay $0x3  }
0x37: {  	[smem:$0x3FB0] =	sst s10  }
0x38: {  	s10 =	sld [smem:$0x3FB1]  }
0x39: {  	_ = 	snop;
	(pc) =	sbr.ind lr, $3  }
0x3a: {  	_ = 	snop  }
0x3b: {  	_ = 	snop  }
0x3c: {  	p2 =	seq.s32 s10, $0x1;
	s10 =	sld [smem:$0x3FB0]  }
0x3d: {  	_ =	shalt  }
0x3e: {  	_ =	shalt  }
0x3f: {  	_ =	shalt  }
0x40: {  	_ =	shalt  }
0x41: {  	_ =	shalt  }
0x42: {  	_ =	shalt  }
0x43: {  	_ =	shalt  }
0x44: {  	_ =	shalt  }
0x45: {  	_ =	shalt  }
0x46: {  	_ =	shalt  }
0x47: {  	_ =	shalt  }
0x48: {  	_ =	shalt  }
0x49: {  	_ =	shalt  }
0x4a: {  	_ =	shalt  }
0x4b: {  	_ =	shalt  }
0x4c: {  	_ =	shalt  }
0x4d: {  	_ =	shalt  }
0x4e: {  	_ =	shalt  }
0x4f: {  	_ =	shalt  }
0x50: {  	_ =	shalt  }
0x51: {  	_ =	shalt  }
0x52: {  	_ =	shalt  }
0x53: {  	_ =	shalt  }
0x54: {  	_ =	shalt  }
0x55: {  	_ =	shalt  }
0x56: {  	_ =	shalt  }
0x57: {  	_ =	shalt  }
0x58: {  	_ =	shalt  }
0x59: {  	_ =	shalt  }
0x5a: {  	_ =	shalt  }
0x5b: {  	_ =	shalt  }
0x5c: {  	_ =	shalt  }
0x5d: {  	_ =	shalt  }
0x5e: {  	_ =	shalt  }
0x5f: {  	_ =	shalt  }
0x60: {  	_ =	shalt  }
0x61: {  	_ =	shalt  }
0x62: {  	_ =	shalt  }
0x63: {  	_ =	shalt  }
0x64: {  	_ =	shalt  }
0x65: {  	_ =	shalt  }
0x66: {  	_ =	shalt  }
0x67: {  	_ =	shalt  }
0x68: {  	_ =	shalt  }
0x69: {  	_ =	shalt  }
0x6a: {  	_ =	shalt  }
0x6b: {  	_ =	shalt  }
0x6c: {  	_ =	shalt  }
0x6d: {  	_ =	shalt  }
0x6e: {  	_ =	shalt  }
0x6f: {  	_ =	shalt  }
0x70: {  	_ =	shalt  }
0x71: {  	_ =	shalt  }
0x72: {  	_ =	shalt  }
0x73: {  	_ =	shalt  }
0x74: {  	_ =	shalt  }
0x75: {  	_ =	shalt  }
0x76: {  	_ =	shalt  }
0x77: {  	_ =	shalt  }
0x78: {  	_ =	shalt  }
0x79: {  	_ =	shalt  }
0x7a: {  	_ =	shalt  }
0x7b: {  	_ =	shalt  }
0x7c: {  	_ =	shalt  }
0x7d: {  	_ =	shalt  }
0x7e: {  	_ =	shalt  }
0x7f: {  	_ =	shalt  }
0x80: {  	_ =	shalt  }
0x81: {  	_ =	shalt  }
0x82: {  	_ =	shalt  }
0x83: {  	_ =	shalt  }
0x84: {  	_ =	shalt  }
0x85: {  	_ =	shalt  }
0x86: {  	_ =	shalt  }
0x87: {  	_ =	shalt  }
.Lfunc_end0:
.L_simem_size_0:
called_computation_lowered:
.L_overlay_start_0:
0x88: {  	s2 =	sld [smem:$0x3FD9]  }
0x89: {  	s3 =	sld [smem:$0x3FFE];
	_ =	sdelay $0x1  }
0x8a: {  	s1 =	srdreg.scid  }
0x8b: {  	s0 =	sand.u32 $0x1, s1  }
0x8c: {  	s14 =	sshll.u32 s0, $0xA;
	s2 =	sadd.s32 s3, s2  }
0x8d: {  	s2 =	sadd.s32 s2, s14  }
0x8e: {  	[smem:$0x3FBC] =	sst s2  }
0x8f: {  	_ = 	snop  }
0x90: {  	s2 =	sld [smem:$0x3FD0];
	_ =	sdelay $0x2  }
0x91: {  	s15 =	simm.s32 $0xA;
	s4 =	simm.s32 $0x10  }
0x92: {  	[smem:s4], [sflag:s15] =	dma.local [hbm:s2], $0x1  }
0x93: {  	_ =	swait.eq [sflag:s15], $0x1  }
0x94: {  	[sflag:s15] =	ssyncset.done $0x0  }
0x95: {  	[sflag:s15] =	ssyncadd.s32 $0xFFFFFFFF  }
0x96: {  	s16 =	sld [smem:$0x11];
	(tm) =	ssettm $0x1  }
0x97: {  	s17 =	sld [smem:$0x3FFB];
	_ =	sdelay $0x3  }
0x98: {  	_ =	strace s17  }
0x99: {  	s3 =	sld [smem:$0x3FFC];
	_ =	sdelay $0x3  }
0x9a: {  	_ =	strace s3  }
0x9b: {  	s3 =	sld [smem:$0x3FFD];
	_ =	sdelay $0x3  }
0x9c: {  	_ =	strace s3  }
0x9d: {  	_ =	strace $0x8FFFFFFF  }
0x9e: {  	s18 =	sld [smem:$0x3FDB];
	_ =	sdelay $0x1  }
0x9f: {  	s19 =	simm.s32 $_scs_section_size  }
0xa0: {  	s5 =	simm.s32 $_size__tile_overlayer_lowered;
	s6 =	simm.s32 $_tile_overlayer_lowered  }
0xa1: {  	s22 =	simm.s32 $0x1BFF;
	s21 =	sshll.u32 s6, $0x1;
	s3 =	sadd.s32 s19, s18  }
0xa2: {  	s7 =	simm.s32 $0x0;
	s20 =	sshll.u32 s5, $0x1;
	s5 =	sadd.s32 s21, s3  }
0xa3: {  	[timem:s7], [sflag:s22] =	dma.local [hbm:s5], s20  }
0xa4: {  	_ =	swait.ge [sflag:s22], s20  }
0xa5: {  	s4 =	ssub.s32 $0x0, s20;
	[sflag:s22] =	ssyncset.done $0x0  }
0xa6: {  	[sflag:s22] =	ssyncadd.s32 s4;
	_ =	sdelay $0x1  }
0xa7: {  	s23 =	simm.s32 $0x1B8B  }
0xa8: {  	_ =	swait.ge [sflag:s23], $0x1  }
0xa9: {  	[sflag:s23] =	ssyncset.done $0x0  }
0xaa: {  	s25 =	simm.s32 $0x1B8E;
	s24 =	sld [smem:$0x3FFE];
	[sflag:s23] =	ssyncadd.s32 $0xFFFFFFFF  }
0xab: {  	s26 =	simm.s32 $execute0_lowered;
	[smem:$0x3FD2] =	sst s25  }
0xac: {  	s5 =	sshll.u32 s26, $0x1;
	_ =	strace $0x80000046;
	[dreg:$0x1] =	wrdreg $0xFFFFFFFF  }
0xad: {  	s28 =	simm.s32 $_size_execute0_lowered;
	s3 =	sadd.s32 s3, s5;
	[dreg:$0x0] =	wrdreg $0x0  }
0xae: {  	s5 =	sshll.u32 s28, $0x1;
	[dreg:$0x2] =	wrdreg s3  }
0xaf: {  	[dreg:$0x3] =	wrdreg s5  }
0xb0: {  	[dreg:$0x4] =	wrdreg $0xC0  }
0xb1: {  	_ =	task [dreg:s7], $0x5FFFF  }
0xb2: {  	[dreg:$0x1] =	wrdreg $0xFFFFFFFF  }
0xb3: {  	[dreg:$0x0] =	wrdreg $0x60  }
0xb4: {  	[dreg:$0x2] =	wrdreg s24  }
0xb5: {  	[dreg:$0x3] =	wrdreg s16  }
0xb6: {  	[dreg:$0x4] =	wrdreg $0x40800  }
0xb7: {  	[dreg:$0x5] =	wrdreg $0x9  }
0xb8: {  	_ =	task.clear_ibuf [dreg:s7], $0x6FFFF;
	_ =	strace $0x90000046  }
0xb9: {  	s29 =	simm.s32 $0x9;
	_ =	strace $0x80000048  }
0xba: {  	_ =	swait.ge [sflag:s29], $0x1  }
0xbb: {  	[sflag:s29] =	ssyncadd.s32 $0xFFFFFFFF  }
0xbc: {  	_ =	strace $0x90000048  }
0xbd: {  	_ =	sfence  }
0xbe: {  	s30 =	sld [smem:$0x0];
	_ =	sdelay $0x2  }
0xbf: {  	s31 =	sshll.u32 s1, $0xD;
	s1 =	sshrl.u32 s1, $0x2  }
0xc0: {  	s3 =	sand.u32 $0x4000, s31;
	s1 =	sadd.s32 s1, s30  }
0xc1: {  	s0 =	sor.u32 s3, s0;
	s1 =	sshll.u32 s1, $0x11  }
0xc2: {  	s0 =	sor.u32 s1, s0  }
0xc3: {  	s0 =	sadd.s32 $0x8F2B, s0  }
0xc4: {  	[sflag:s0] =	ssyncadd.remote.s32 $0x1  }
0xc5: {  	_ =	sfence.sel $0xFFFF  }
0xc6: {  	[dreg:$0x0] =	wrdreg $0xFFFFFFFF;
	(pc) =	sbr.abs _section_cstart, $3  }
0xc7: {  	[dreg:$0x1] =	wrdreg $0xFFFFFFFF  }
0xc8: {  	_ =	task.clear_ibuf [dreg:s7], $0x2FFFF;
	_ =	strace $0x9FFFFFFF  }
0xc9: {  	(tm) =	ssettm $0x7FFFFFFF  }
tec
execute0_lowered:
.L_overlay_start_1:
0x0: {  	(tag) =	ssettag $0x1  }
0x1: {  	s7 =	rddreg [dreg:$0x0]  }
0x2: {  	s2 =	rddreg [dreg:$0x1]  }
0x3: {  	s3 =	rddreg [dreg:$0x2]  }
0x4: {  	s1 =	stileid.u32;
	s0 =	rddreg [dreg:$0x3];
	s4 =	simm.s32 $0x0  }
0x5: {  	s6 =	srdreg.scid;
	s15 =	simm.s32 $0x80;
	s16 =	simm.s32 $0x0  }
0x6: {  	s5 =	smul.u32 $0x9D0, s1;
	[smem:$0x7FF] =	sst s4;
	s9 =	sand.u32 $0x1, s6  }
0x7: {  	s8 =	smul.u32 $0x4F000, s1;
	s6 =	sadd.s32 $0x1C200, s7;
	s13 =	sshll.u32 s1, $0x6  }
0x8: {  	s10 =	ssub.s32 $0x2, s9;
	p0 =	seq.s32 s9, $0x1;
	s9 =	smul.u32 $0x2780, s1  }
.Ltmp0:
0x9: {  	_ =	strace $0x80000047;
	s12 =	sadd.s32 s5, s7;
	(pc) =	sbr.rel .LBB2_1-.Ltmp0, $4  }
0xa: {  	s5 =	sadd.s32 $0x19A00, s7;
	s11 =	sshrl.u32 s10, $0x1;
	s8 =	sshrl.u32 s8, $0x2  }
0xb: {  	s7 =	sadd.s32 $0x43A00, s7;
	s10 =	ssub.s32 s10, s11;
	s14 =	sadd.s32 s8, s3  }
0xc: {  	s8 =	sor.u32 $0x1C01, s13;
	s11 =	sadd.s32 $0x5E00, s12;
	s12 =	sadd.s32 $0xFC00, s12  }
0xd: {  	s10 =	smax.u32 s10, $0x1;
	s13 =	sshrl.u32 s14, $0x3;
	s14 =	simm.s32 $0x1  }
.LBB2_7:
0xe: {  	s17 =	sadd.s32 s17, s12;
	[sflag:s14] =	ssyncadd.s32 $0xFFFFC000  }
0xf: {  	[tilespmem:s4], [sflag:$0x1] =	stream.linear.gather [hbm4b:s17+s4], $0x80, $0x38;
	[tilespmem:$0x17C80] =	vst v63  }
0x10: {  	_ =	swait.ge [sflag:s14], $0x80  }
0x11: {  	[sflag:s14] =	ssyncset.done $0x0  }
0x12: {  	[sflag:s14] =	ssyncadd.s32 $0xFFFFFF80  }
0x13: {  	[spmem:s3] =	stream.indirect.scatter.add.f32 [tilespmem:s15], [sflag:$0x1], $0x80, s4, s15, $0xb8;
	[tilespmem:$0x17C80] =	vst v63  }
0x14: {  	_ =	swait.ge [sflag:s14], $0x4000  }
0x15: {  	[sflag:s14] =	ssyncset.done $0x0  }
0x16: {  	s17 =	smov.u32 s7;
	[sflag:s14] =	ssyncadd.s32 $0xFFFFC000  }
.LBB2_8:
0x17: {  	s16 =	sadd.s32 $0x1, s16  }
0x18: {  	p1 =	sne.s32 s16, s10  }
.Ltmp1:
0x19: {  	s17 =	sadd.s32 s17, s9;
	[bflag:$0x0] =	sbarrier.arrive $0xFFFF;
	(pc) =	sbr.rel @!p1 .LBB2_9-.Ltmp1, $4  }
0x1a: {  	[hbm:s17], [sflag:s8] =	dma.local [spmem:s13], $0x2780  }
0x1b: {  	_ =	swait.ge [sflag:s14], $0x2780  }
0x1c: {  	[sflag:s14] =	ssyncset.done $0x0  }
0x1d: {  	[sflag:s14] =	ssyncadd.s32 $0xFFFFD880  }
.LBB2_1:
0x1e: {  	[spmem:s13], [sflag:s8] =	dma.local [hbm:s5], $0x2780  }
0x1f: {  	_ =	swait.ge [sflag:s14], $0x2780  }
0x20: {  	[sflag:s14] =	ssyncset.done $0x0  }
0x21: {  	[sflag:s14] =	ssyncadd.s32 $0xFFFFD880  }
0x22: {  	[tilespmem:s15], [sflag:$0x1] =	stream.linear.gather [hbm4b:s2+s4], $0x4000, $0x38;
	[tilespmem:$0x17C80] =	vst v63  }
.Ltmp2:
0x23: {  	_ =	swait.ge [sflag:s14], $0x4000;
	(pc) =	sbr.rel @!p0 .LBB2_2-.Ltmp2, $3  }
0x24: {  	[sflag:s14] =	ssyncset.done $0x0  }
0x25: {  	[sflag:s14] =	ssyncadd.s32 $0xFFFFC000  }
0x26: {  	[bflag:$0x0] =	sbarrier.arrive $0xFFFF;
	_ =	sdelay $0x1  }
0x27: {  	s17 =	sadd.s32 $0x0, s12  }
0x28: {  	[tilespmem:s4], [sflag:$0x1] =	stream.linear.gather [hbm4b:s17+s4], $0x80, $0x38;
	[tilespmem:$0x17C80] =	vst v63  }
0x29: {  	_ =	swait.ge [sflag:s14], $0x80  }
0x2a: {  	[sflag:s14] =	ssyncset.done $0x0  }
0x2b: {  	[sflag:s14] =	ssyncadd.s32 $0xFFFFFF80  }
0x2c: {  	[spmem:s3] =	stream.indirect.scatter.add.f32 [tilespmem:s15], [sflag:$0x1], $0x80, s4, s15, $0xb8;
	[tilespmem:$0x17C80] =	vst v63  }
0x2d: {  	_ =	swait.ge [sflag:s14], $0x4000  }
0x2e: {  	s18 =	simm.s32 $0x20;
	s17 =	simm.s32 $0x10;
	[sflag:s14] =	ssyncset.done $0x0  }
.LBB2_6:
0x2f: {  	s19 =	sadd.s32 s17, s12  }
0x30: {  	[sflag:s14] =	ssyncadd.s32 $0xFFFFC000;
	s17 =	smov.u32 s18;
	s20 =	sadd.s32 $0x10, s18  }
0x31: {  	[tilespmem:s4], [sflag:$0x1] =	stream.linear.gather [hbm4b:s19+s4], $0x80, $0x38;
	[tilespmem:$0x17C80] =	vst v63  }
0x32: {  	p1 =	sne.s32 s18, $0x9C0;
	_ =	swait.ge [sflag:s14], $0x80  }
.Ltmp3:
0x33: {  	[sflag:s14] =	ssyncset.done $0x0;
	(pc) =	sbr.rel @p1 .LBB2_6-.Ltmp3, $4  }
0x34: {  	[sflag:s14] =	ssyncadd.s32 $0xFFFFFF80  }
0x35: {  	[spmem:s3] =	stream.indirect.scatter.add.f32 [tilespmem:s15], [sflag:$0x1], $0x80, s4, s15, $0xb8;
	[tilespmem:$0x17C80] =	vst v63  }
0x36: {  	_ =	swait.ge [sflag:s14], $0x4000  }
0x37: {  	s18 =	smov.u32 s20;
	[sflag:s14] =	ssyncset.done $0x0  }
.Ltmp4:
0x38: {  	_ = 	snop;
	(pc) =	sbr.rel .LBB2_7-.Ltmp4, $1  }
0x39: {  	_ =	sdelay $0x3  }
.LBB2_2:
0x3a: {  	s17 =	sadd.s32 $0x0, s11  }
0x3b: {  	[tilespmem:s4], [sflag:$0x1] =	stream.linear.gather [hbm4b:s17+s4], $0x80, $0x38;
	[tilespmem:$0x17C80] =	vst v63  }
0x3c: {  	_ =	swait.ge [sflag:s14], $0x80  }
0x3d: {  	[sflag:s14] =	ssyncset.done $0x0  }
0x3e: {  	[sflag:s14] =	ssyncadd.s32 $0xFFFFFF80  }
0x3f: {  	[spmem:s3] =	stream.indirect.scatter.add.f32 [tilespmem:s15], [sflag:$0x1], $0x80, s4, s15, $0xb8;
	[tilespmem:$0x17C80] =	vst v63  }
0x40: {  	_ =	swait.ge [sflag:s14], $0x4000  }
0x41: {  	s18 =	simm.s32 $0x20;
	s17 =	simm.s32 $0x10;
	[sflag:s14] =	ssyncset.done $0x0  }
.LBB2_3:
0x42: {  	s19 =	sadd.s32 s17, s11  }
0x43: {  	[sflag:s14] =	ssyncadd.s32 $0xFFFFC000;
	s17 =	smov.u32 s18;
	s20 =	sadd.s32 $0x10, s18  }
0x44: {  	[tilespmem:s4], [sflag:$0x1] =	stream.linear.gather [hbm4b:s19+s4], $0x80, $0x38;
	[tilespmem:$0x17C80] =	vst v63  }
0x45: {  	p1 =	seq.s32 s18, $0x9C0;
	_ =	swait.ge [sflag:s14], $0x80  }
.Ltmp5:
0x46: {  	[sflag:s14] =	ssyncset.done $0x0;
	(pc) =	sbr.rel @!p1 .LBB2_3-.Ltmp5, $4  }
0x47: {  	[sflag:s14] =	ssyncadd.s32 $0xFFFFFF80  }
0x48: {  	[spmem:s3] =	stream.indirect.scatter.add.f32 [tilespmem:s15], [sflag:$0x1], $0x80, s4, s15, $0xb8;
	[tilespmem:$0x17C80] =	vst v63  }
0x49: {  	_ =	swait.ge [sflag:s14], $0x4000  }
0x4a: {  	s18 =	smov.u32 s20;
	[sflag:s14] =	ssyncset.done $0x0  }
0x4b: {  	s17 =	sadd.s32 s17, s11;
	[sflag:s14] =	ssyncadd.s32 $0xFFFFC000  }
0x4c: {  	[tilespmem:s4], [sflag:$0x1] =	stream.linear.gather [hbm4b:s17+s4], $0x80, $0x38;
	[tilespmem:$0x17C80] =	vst v63  }
0x4d: {  	_ =	swait.ge [sflag:s14], $0x80  }
0x4e: {  	[sflag:s14] =	ssyncset.done $0x0  }
.Ltmp6:
0x4f: {  	[sflag:s14] =	ssyncadd.s32 $0xFFFFFF80;
	(pc) =	sbr.rel .LBB2_8-.Ltmp6, $4  }
0x50: {  	[spmem:s3] =	stream.indirect.scatter.add.f32 [tilespmem:s15], [sflag:$0x1], $0x80, s4, s15, $0xb8;
	[tilespmem:$0x17C80] =	vst v63  }
0x51: {  	_ =	swait.ge [sflag:s14], $0x4000  }
0x52: {  	[sflag:s14] =	ssyncset.done $0x0  }
0x53: {  	s17 =	smov.u32 s6;
	[sflag:s14] =	ssyncadd.s32 $0xFFFFC000  }
.LBB2_9:
0x54: {  	_ =	sfence.sel $0x180000  }
0x55: {  	[bflag:$0x0] =	sbarrier.arrive $0xFFFF  }
0x56: {  	p0 =	sne.s32 s1, $0x0;
	_ =	strace $0x90000047  }
0x57: {  	s0 =	sadd.s32 @!p0 $0x100000, s0;
	[bflag:$0x2] =	sbarrier.arrive $0xFFFF  }
0x58: {  	[sflag:s0] =	ssyncadd.tile.s32 @!p0 $0x1;
	_ =	shalt  }
.Lfunc_end2:
_tile_overlayer_lowered:
.L_overlay_start_2:
0x59: {  	(tag) =	ssettag $0x2  }
0x5a: {  	s0 =	rddreg [dreg:$0x0];
	s2 =	stileid.u32  }
0x5b: {  	s1 =	rddreg [dreg:$0x1];
	p0 =	sne.s32 s2, $0x0  }
0x5c: {  	s3 =	rddreg [dreg:$0x2];
	[bflag:$0x3] =	sbarrier.arrive $0xFFFF;
	s2 =	simm.s32 @!p0 $0x1C01  }
0x5d: {  	[timem:s3], [sflag:s2] =	dma.local @!p0 [hbm:s0], s1  }
0x5e: {  	s0 =	simm.s32 @!p0 $0x1  }
0x5f: {  	_ =	swait.ge @!p0 [sflag:s0], s1  }
0x60: {  	s1 =	ssub.s32 @!p0 $0x0, s1;
	[sflag:s0] =	ssyncset.done @!p0 $0x0  }
0x61: {  	[sflag:s0] =	ssyncadd.s32 @!p0 s1  }
0x62: {  	[bflag:$0x3] =	sbarrier.arrive $0xFFFF  }
0x63: {  	_ =	shalt  }

// kernel: kernel.14.cloned.1.call-start
scs
__scs_entry_jumppad:
0x0: {  	(pc) =	sbr.rel $0x88, $3  }
0x1: {  	(tag) =	ssettag $0x0;
	lr =	simm.s32 $0x1  }
0x2: {  	[smem:$0x3F95] =	sst lr;
	_ =	strace $0xD0000000  }
0x3: {  	_ = 	snop  }
0x4: {  	_ = 	snop  }
0x5: {  	_ = 	snop  }
0x6: {  	_ = 	snop  }
0x7: {  	_ = 	snop  }
__scs_overlays_trampoline_lowered:
0x8: {  	[smem:$0x3FA4] =	sst s0  }
0x9: {  	[smem:$0x3FA5] =	sst s1  }
0xa: {  	[smem:$0x3FA6] =	sst s2  }
0xb: {  	[smem:$0x3FA7] =	sst s3  }
0xc: {  	[smem:$0x3FA8] =	sst s4  }
0xd: {  	[smem:$0x3FA9] =	sst s5  }
0xe: {  	[smem:$0x3FAA] =	sst s6  }
0xf: {  	[smem:$0x3FAB] =	sst s7  }
0x10: {  	[smem:$0x3FAC] =	sst s8  }
0x11: {  	[smem:$0x3FAD] =	sst s9;
	s0 =	simm.s32 @!p0 $0x0  }
0x12: {  	s1 =	sld [smem:$0x3F93];
	s0 =	simm.s32 @p0 $0x1  }
0x13: {  	[smem:$0x3FAE] =	sst s0;
	s0 =	simm.s32 @!p1 $0x0  }
0x14: {  	s2 =	sld [smem:$0x3F92];
	s0 =	simm.s32 @p1 $0x1  }
0x15: {  	[smem:$0x3FAF] =	sst s0;
	s0 =	simm.s32 @!p2 $0x0  }
0x16: {  	s3 =	sld [smem:$0x3FDB];
	s0 =	simm.s32 @p2 $0x1  }
0x17: {  	s4 =	simm.s32 $0x1BF5;
	[smem:$0x3FB1] =	sst s0  }
0x18: {  	s0 =	sld [smem:$0x3F94];
	_ =	swait.ge [sflag:s4], $0x0  }
0x19: {  	s7 =	sld [smem:$0x3F95]  }
0x1a: {  	s8 =	sadd.s32 $0xFFFFE003, lr  }
0x1b: {  	s9 =	sadd.s32 $0xFFFFFEF7, lr;
	s5 =	simm.s32 $0xFFFFFFFF;
	p2 =	slt.u32 s8, $0xFFFFF086  }
0x1c: {  	p1 =	slt.u32 s9, $0xF7A;
	s5 =	simm.s32 @!p2 $0x0  }
0x1d: {  	s5 =	simm.s32 @p1 $0x1;
	p0 =	seq.s32 s7, s2  }
0x1e: {  	s7 =	smul.u32 @!p0 $0xF7A, s2;
	p2 =	seq.s32 @!p0 s5, $0x0  }
0x1f: {  	s9 =	smul.u32 $0xF7A, s1;
	s8 =	simm.s32 @!p0 $0x1BF5;
	p2 =	por !p2, p0  }
0x20: {  	[sflag:s8] =	ssyncset.s32 @!p0 $0xFFFFF086;
	s6 =	sadd.s32 @!p0 s3, s7;
	s7 =	simm.s32 @!p0 $0x108  }
0x21: {  	s3 =	sadd.s32 s3, s9;
	s6 =	sadd.s32 @!p0 $0x88, s6;
	s7 =	simm.s32 @p2 $0x1082  }
0x22: {  	[simem:s7], [sflag:s8] =	dma.local @!p0 [hbm:s6], $0xF7A  }
0x23: {  	s9 =	sor.u32 $0xD0000000, s2;
	s6 =	simm.s32 $0x108;
	_ =	swait.ge @!p0 [sflag:s8], $0x0  }
0x24: {  	s3 =	sadd.s32 $0x88, s3;
	s6 =	simm.s32 @!p1 $0x1082;
	[sflag:s4] =	ssyncset.s32 $0xFFFFF086  }
0x25: {  	[simem:s6], [sflag:s4] =	dma.local [hbm:s3], $0xF7A  }
0x26: {  	[smem:$0x3F95] =	sst s1;
	(tag) =	ssettag s2;
	_ =	strace s9  }
0x27: {  	s1 =	sld [smem:$0x3FA5]  }
0x28: {  	s2 =	sld [smem:$0x3FA6]  }
0x29: {  	s4 =	sld [smem:$0x3FA8]  }
0x2a: {  	p0 =	seq.s32 s5, $0x0;
	s5 =	sld [smem:$0x3FA9]  }
0x2b: {  	s6 =	sld [smem:$0x3FAA]  }
0x2c: {  	s7 =	sld [smem:$0x3FAB]  }
0x2d: {  	s3 =	simm.s32 $0x108;
	s8 =	sld [smem:$0x3FAC]  }
0x2e: {  	s3 =	simm.s32 @!p0 $0x1082;
	s9 =	sld [smem:$0x3FAD]  }
0x2f: {  	lr =	sadd.s32 s0, s3;
	s0 =	sld [smem:$0x3FA4]  }
0x30: {  	s3 =	sld [smem:$0x3FA7]  }
0x31: {  	[smem:$0x3FB0] =	sst s10  }
0x32: {  	s10 =	sld [smem:$0x3FAE];
	_ =	sdelay $0x3  }
0x33: {  	p0 =	seq.s32 s10, $0x1;
	s10 =	sld [smem:$0x3FB0];
	_ =	sdelay $0x3  }
0x34: {  	[smem:$0x3FB0] =	sst s10  }
0x35: {  	s10 =	sld [smem:$0x3FAF];
	_ =	sdelay $0x3  }
0x36: {  	p1 =	seq.s32 s10, $0x1;
	s10 =	sld [smem:$0x3FB0];
	_ =	sdelay $0x3  }
0x37: {  	[smem:$0x3FB0] =	sst s10  }
0x38: {  	s10 =	sld [smem:$0x3FB1]  }
0x39: {  	_ = 	snop;
	(pc) =	sbr.ind lr, $3  }
0x3a: {  	_ = 	snop  }
0x3b: {  	_ = 	snop  }
0x3c: {  	p2 =	seq.s32 s10, $0x1;
	s10 =	sld [smem:$0x3FB0]  }
0x3d: {  	_ =	shalt  }
0x3e: {  	_ =	shalt  }
0x3f: {  	_ =	shalt  }
0x40: {  	_ =	shalt  }
0x41: {  	_ =	shalt  }
0x42: {  	_ =	shalt  }
0x43: {  	_ =	shalt  }
0x44: {  	_ =	shalt  }
0x45: {  	_ =	shalt  }
0x46: {  	_ =	shalt  }
0x47: {  	_ =	shalt  }
0x48: {  	_ =	shalt  }
0x49: {  	_ =	shalt  }
0x4a: {  	_ =	shalt  }
0x4b: {  	_ =	shalt  }
0x4c: {  	_ =	shalt  }
0x4d: {  	_ =	shalt  }
0x4e: {  	_ =	shalt  }
0x4f: {  	_ =	shalt  }
0x50: {  	_ =	shalt  }
0x51: {  	_ =	shalt  }
0x52: {  	_ =	shalt  }
0x53: {  	_ =	shalt  }
0x54: {  	_ =	shalt  }
0x55: {  	_ =	shalt  }
0x56: {  	_ =	shalt  }
0x57: {  	_ =	shalt  }
0x58: {  	_ =	shalt  }
0x59: {  	_ =	shalt  }
0x5a: {  	_ =	shalt  }
0x5b: {  	_ =	shalt  }
0x5c: {  	_ =	shalt  }
0x5d: {  	_ =	shalt  }
0x5e: {  	_ =	shalt  }
0x5f: {  	_ =	shalt  }
0x60: {  	_ =	shalt  }
0x61: {  	_ =	shalt  }
0x62: {  	_ =	shalt  }
0x63: {  	_ =	shalt  }
0x64: {  	_ =	shalt  }
0x65: {  	_ =	shalt  }
0x66: {  	_ =	shalt  }
0x67: {  	_ =	shalt  }
0x68: {  	_ =	shalt  }
0x69: {  	_ =	shalt  }
0x6a: {  	_ =	shalt  }
0x6b: {  	_ =	shalt  }
0x6c: {  	_ =	shalt  }
0x6d: {  	_ =	shalt  }
0x6e: {  	_ =	shalt  }
0x6f: {  	_ =	shalt  }
0x70: {  	_ =	shalt  }
0x71: {  	_ =	shalt  }
0x72: {  	_ =	shalt  }
0x73: {  	_ =	shalt  }
0x74: {  	_ =	shalt  }
0x75: {  	_ =	shalt  }
0x76: {  	_ =	shalt  }
0x77: {  	_ =	shalt  }
0x78: {  	_ =	shalt  }
0x79: {  	_ =	shalt  }
0x7a: {  	_ =	shalt  }
0x7b: {  	_ =	shalt  }
0x7c: {  	_ =	shalt  }
0x7d: {  	_ =	shalt  }
0x7e: {  	_ =	shalt  }
0x7f: {  	_ =	shalt  }
0x80: {  	_ =	shalt  }
0x81: {  	_ =	shalt  }
0x82: {  	_ =	shalt  }
0x83: {  	_ =	shalt  }
0x84: {  	_ =	shalt  }
0x85: {  	_ =	shalt  }
0x86: {  	_ =	shalt  }
0x87: {  	_ =	shalt  }
.Lfunc_end0:
.L_simem_size_0:
called_computation.1_lowered:
.L_overlay_start_0:
0x88: {  	s2 =	sld [smem:$0x3FD9]  }
0x89: {  	s3 =	sld [smem:$0x3FFE];
	_ =	sdelay $0x1  }
0x8a: {  	s1 =	srdreg.scid  }
0x8b: {  	s0 =	sand.u32 $0x1, s1  }
0x8c: {  	s14 =	sshll.u32 s0, $0xA;
	s2 =	sadd.s32 s3, s2  }
0x8d: {  	s2 =	sadd.s32 s2, s14  }
0x8e: {  	[smem:$0x3FBC] =	sst s2  }
0x8f: {  	_ = 	snop  }
0x90: {  	s2 =	sld [smem:$0x3FD0];
	_ =	sdelay $0x2  }
0x91: {  	s15 =	simm.s32 $0xA;
	s4 =	simm.s32 $0x10  }
0x92: {  	[smem:s4], [sflag:s15] =	dma.local [hbm:s2], $0x1  }
0x93: {  	_ =	swait.eq [sflag:s15], $0x1  }
0x94: {  	[sflag:s15] =	ssyncset.done $0x0  }
0x95: {  	s16 =	sld [smem:$0x10];
	[sflag:s15] =	ssyncadd.s32 $0xFFFFFFFF  }
0x96: {  	s17 =	sld [smem:$0x11];
	(tm) =	ssettm $0x1  }
0x97: {  	s18 =	sld [smem:$0x3FFB];
	_ =	sdelay $0x3  }
0x98: {  	_ =	strace s18  }
0x99: {  	s4 =	sld [smem:$0x3FFC];
	_ =	sdelay $0x3  }
0x9a: {  	_ =	strace s4  }
0x9b: {  	s4 =	sld [smem:$0x3FFD];
	_ =	sdelay $0x3  }
0x9c: {  	_ =	strace s4  }
0x9d: {  	_ =	strace $0x8FFFFFFF  }
0x9e: {  	s19 =	sld [smem:$0x3FDB];
	_ =	sdelay $0x1  }
0x9f: {  	s5 =	simm.s32 $_scs_section_size  }
0xa0: {  	s6 =	simm.s32 $_size__tile_overlayer_lowered;
	s7 =	simm.s32 $_tile_overlayer_lowered  }
0xa1: {  	s22 =	simm.s32 $0x1BFF;
	s21 =	sshll.u32 s7, $0x1;
	s4 =	sadd.s32 s5, s19  }
0xa2: {  	s8 =	simm.s32 $0x0;
	s20 =	sshll.u32 s6, $0x1;
	s6 =	sadd.s32 s21, s4  }
0xa3: {  	[timem:s8], [sflag:s22] =	dma.local [hbm:s6], s20  }
0xa4: {  	_ =	swait.ge [sflag:s22], s20  }
0xa5: {  	s5 =	ssub.s32 $0x0, s20;
	[sflag:s22] =	ssyncset.done $0x0  }
0xa6: {  	[sflag:s22] =	ssyncadd.s32 s5;
	_ =	sdelay $0x1  }
0xa7: {  	s23 =	simm.s32 $0x1B8B  }
0xa8: {  	_ =	swait.ge [sflag:s23], $0x1  }
0xa9: {  	[sflag:s23] =	ssyncset.done $0x0  }
0xaa: {  	s25 =	simm.s32 $0x1B8E;
	s24 =	sld [smem:$0x3FFE];
	[sflag:s23] =	ssyncadd.s32 $0xFFFFFFFF  }
0xab: {  	s26 =	simm.s32 $execute0_lowered;
	[smem:$0x3FD2] =	sst s25  }
0xac: {  	s6 =	sshll.u32 s26, $0x1;
	_ =	strace $0x80000049;
	[dreg:$0x1] =	wrdreg $0xFFFFFFFF  }
0xad: {  	s28 =	simm.s32 $_size_execute0_lowered;
	s4 =	sadd.s32 s4, s6;
	[dreg:$0x0] =	wrdreg $0x0  }
0xae: {  	s6 =	sshll.u32 s28, $0x1;
	[dreg:$0x2] =	wrdreg s4  }
0xaf: {  	[dreg:$0x3] =	wrdreg s6  }
0xb0: {  	[dreg:$0x4] =	wrdreg $0xC0  }
0xb1: {  	_ =	task [dreg:s8], $0x5FFFF  }
0xb2: {  	[dreg:$0x1] =	wrdreg $0xFFFFFFFF  }
0xb3: {  	[dreg:$0x0] =	wrdreg $0x60  }
0xb4: {  	[dreg:$0x2] =	wrdreg s17  }
0xb5: {  	[dreg:$0x3] =	wrdreg s24  }
0xb6: {  	[dreg:$0x4] =	wrdreg s16  }
0xb7: {  	[dreg:$0x5] =	wrdreg $0x41000  }
0xb8: {  	[dreg:$0x6] =	wrdreg $0x9  }
0xb9: {  	_ =	task.clear_ibuf [dreg:s8], $0x7FFFF;
	_ =	strace $0x90000049  }
0xba: {  	s29 =	simm.s32 $0x9;
	_ =	strace $0x8000004B  }
0xbb: {  	_ =	swait.ge [sflag:s29], $0x1  }
0xbc: {  	[sflag:s29] =	ssyncadd.s32 $0xFFFFFFFF  }
0xbd: {  	_ =	strace $0x9000004B  }
0xbe: {  	_ =	sfence  }
0xbf: {  	s30 =	sld [smem:$0x0];
	_ =	sdelay $0x2  }
0xc0: {  	s31 =	sshll.u32 s1, $0xD;
	s1 =	sshrl.u32 s1, $0x2  }
0xc1: {  	s3 =	sand.u32 $0x4000, s31;
	s1 =	sadd.s32 s1, s30  }
0xc2: {  	s0 =	sor.u32 s3, s0;
	s1 =	sshll.u32 s1, $0x11  }
0xc3: {  	s0 =	sor.u32 s1, s0  }
0xc4: {  	s0 =	sadd.s32 $0x8F2B, s0  }
0xc5: {  	[sflag:s0] =	ssyncadd.remote.s32 $0x1  }
0xc6: {  	_ =	sfence.sel $0xFFFF  }
0xc7: {  	[dreg:$0x0] =	wrdreg $0xFFFFFFFF;
	(pc) =	sbr.abs _section_cstart, $3  }
0xc8: {  	[dreg:$0x1] =	wrdreg $0xFFFFFFFF  }
0xc9: {  	_ =	task.clear_ibuf [dreg:s8], $0x2FFFF;
	_ =	strace $0x9FFFFFFF  }
0xca: {  	(tm) =	ssettm $0x7FFFFFFF  }
0xcb: {  	_ =	shalt  }
tec
execute0_lowered:
.L_overlay_start_1:
0x0: {  	(tag) =	ssettag $0x1  }
0x1: {  	s2 =	rddreg [dreg:$0x0]  }
0x2: {  	s8 =	rddreg [dreg:$0x1]  }
0x3: {  	s3 =	rddreg [dreg:$0x2]  }
0x4: {  	s4 =	rddreg [dreg:$0x3];
	s1 =	stileid.u32  }
0x5: {  	s0 =	rddreg [dreg:$0x4];
	s5 =	simm.s32 $0x0;
	s7 =	srdreg.scid  }
0x6: {  	s17 =	simm.s32 $0x2;
	s18 =	simm.s32 $0x80;
	s19 =	simm.s32 $0x100  }
0x7: {  	s20 =	simm.s32 $0x1;
	s21 =	simm.s32 $0x0;
	s6 =	smul.u32 $0x9D0, s1  }
0x8: {  	[smem:$0x7FF] =	sst s5;
	s10 =	sand.u32 $0x1, s7;
	s11 =	smul.u32 $0x4F000, s1  }
0x9: {  	s7 =	sadd.s32 $0x43400, s8;
	s31 =	sshll.u32 s1, $0x6;
	_ =	strace $0x8000004A  }
0xa: {  	s9 =	ssub.s32 $0x2, s10;
	p0 =	seq.s32 s10, $0x1;
	s10 =	smul.u32 $0x2780, s1  }
.Ltmp0:
0xb: {  	s15 =	sadd.s32 s6, s8;
	s6 =	sadd.s32 $0x19A00, s8;
	(pc) =	sbr.rel .LBB2_1-.Ltmp0, $4  }
0xc: {  	s8 =	sadd.s32 $0x7EE00, s8;
	s12 =	sshrl.u32 s9, $0x1;
	s30 =	sshrl.u32 s11, $0x2  }
0xd: {  	s12 =	ssub.s32 s9, s12;
	s16 =	sadd.s32 s30, s4;
	s9 =	sor.u32 $0x1C02, s31  }
0xe: {  	s13 =	sadd.s32 $0x6B200, s15;
	s14 =	sadd.s32 $0xFC00, s15;
	s11 =	smax.u32 s12, $0x1  }
0xf: {  	s12 =	sadd.s32 $0x5E00, s15;
	s15 =	sadd.s32 $0x75000, s15;
	s16 =	sshrl.u32 s16, $0x3  }
.LBB2_7:
0x10: {  	s23 =	sadd.s32 s22, s15;
	[sflag:s17] =	ssyncadd.s32 $0xFFFFC000  }
0x11: {  	[tilespmem:s5], [sflag:$0x2] =	stream.linear.gather [hbm4b:s23+s5], $0x80, $0x38;
	[tilespmem:$0x17D00] =	vst v63  }
0x12: {  	_ =	swait.ge [sflag:s17], $0x80  }
0x13: {  	[sflag:s17] =	ssyncset.done $0x0  }
0x14: {  	s31 =	sadd.s32 s22, s14;
	[sflag:s17] =	ssyncadd.s32 $0xFFFFFF80  }
0x15: {  	[tilespmem:s18], [sflag:$0x2] =	stream.linear.gather [hbm4b:s31+s5], $0x80, $0x38;
	[tilespmem:$0x17D00] =	vst v63  }
0x16: {  	_ =	swait.ge [sflag:s17], $0x80  }
0x17: {  	[sflag:s17] =	ssyncset.done $0x0  }
0x18: {  	[sflag:s17] =	ssyncadd.s32 $0xFFFFFF80  }
0x19: {  	[tilespmem:s19], [sflag:$0x1] =	stream.indirect.gather [hbm4b:s3+s18], $0x80, s5, s18, $0xb8;
	[tilespmem:$0x17D00] =	vst v63  }
0x1a: {  	_ =	swait.ge [sflag:s20], $0x4000  }
0x1b: {  	[sflag:s20] =	ssyncset.done $0x0  }
0x1c: {  	[sflag:s20] =	ssyncadd.s32 $0xFFFFC000  }
0x1d: {  	[spmem:s4] =	stream.indirect.scatter.add.f32 [tilespmem:s19], [sflag:$0x2], $0x80, s18, s18, $0xb8;
	[tilespmem:$0x17D00] =	vst v63  }
0x1e: {  	_ =	swait.ge [sflag:s17], $0x4000  }
0x1f: {  	[sflag:s17] =	ssyncset.done $0x0  }
0x20: {  	s22 =	smov.u32 s8;
	[sflag:s17] =	ssyncadd.s32 $0xFFFFC000  }
.LBB2_8:
0x21: {  	s21 =	sadd.s32 $0x1, s21  }
0x22: {  	p1 =	sne.s32 s21, s11  }
.Ltmp1:
0x23: {  	s22 =	sadd.s32 s22, s10;
	[bflag:$0x0] =	sbarrier.arrive $0xFFFF;
	(pc) =	sbr.rel @!p1 .LBB2_9-.Ltmp1, $4  }
0x24: {  	[hbm:s22], [sflag:s9] =	dma.local [spmem:s16], $0x2780  }
0x25: {  	_ =	swait.ge [sflag:s17], $0x2780  }
0x26: {  	[sflag:s17] =	ssyncset.done $0x0  }
0x27: {  	[sflag:s17] =	ssyncadd.s32 $0xFFFFD880  }
.LBB2_1:
0x28: {  	[spmem:s16], [sflag:s9] =	dma.local [hbm:s6], $0x2780  }
.Ltmp2:
0x29: {  	_ =	swait.ge [sflag:s17], $0x2780;
	(pc) =	sbr.rel @!p0 .LBB2_2-.Ltmp2, $3  }
0x2a: {  	[sflag:s17] =	ssyncset.done $0x0  }
0x2b: {  	[sflag:s17] =	ssyncadd.s32 $0xFFFFD880  }
0x2c: {  	[bflag:$0x0] =	sbarrier.arrive $0xFFFF;
	_ =	sdelay $0x1  }
0x2d: {  	s22 =	sadd.s32 $0x0, s15  }
0x2e: {  	[tilespmem:s5], [sflag:$0x2] =	stream.linear.gather [hbm4b:s22+s5], $0x80, $0x38;
	[tilespmem:$0x17D00] =	vst v63  }
0x2f: {  	_ =	swait.ge [sflag:s17], $0x80  }
0x30: {  	[sflag:s17] =	ssyncset.done $0x0  }
0x31: {  	s31 =	sadd.s32 $0x0, s14;
	[sflag:s17] =	ssyncadd.s32 $0xFFFFFF80  }
0x32: {  	[tilespmem:s18], [sflag:$0x2] =	stream.linear.gather [hbm4b:s31+s5], $0x80, $0x38;
	[tilespmem:$0x17D00] =	vst v63  }
0x33: {  	_ =	swait.ge [sflag:s17], $0x80  }
0x34: {  	[sflag:s17] =	ssyncset.done $0x0  }
0x35: {  	[sflag:s17] =	ssyncadd.s32 $0xFFFFFF80  }
0x36: {  	[tilespmem:s19], [sflag:$0x1] =	stream.indirect.gather [hbm4b:s3+s18], $0x80, s5, s18, $0xb8;
	[tilespmem:$0x17D00] =	vst v63  }
0x37: {  	_ =	swait.ge [sflag:s20], $0x4000  }
0x38: {  	[sflag:s20] =	ssyncset.done $0x0  }
0x39: {  	[sflag:s20] =	ssyncadd.s32 $0xFFFFC000  }
0x3a: {  	[spmem:s4] =	stream.indirect.scatter.add.f32 [tilespmem:s19], [sflag:$0x2], $0x80, s18, s18, $0xb8;
	[tilespmem:$0x17D00] =	vst v63  }
0x3b: {  	_ =	swait.ge [sflag:s17], $0x4000  }
0x3c: {  	s23 =	simm.s32 $0x20;
	s22 =	simm.s32 $0x10;
	[sflag:s17] =	ssyncset.done $0x0  }
.LBB2_6:
0x3d: {  	s24 =	sadd.s32 s22, s15  }
0x3e: {  	[sflag:s17] =	ssyncadd.s32 $0xFFFFC000;
	s25 =	smov.u32 s23;
	s26 =	sadd.s32 $0x10, s23  }
0x3f: {  	[tilespmem:s5], [sflag:$0x2] =	stream.linear.gather [hbm4b:s24+s5], $0x80, $0x38;
	[tilespmem:$0x17D00] =	vst v63  }
0x40: {  	p1 =	sne.s32 s23, $0x9C0;
	_ =	swait.ge [sflag:s17], $0x80  }
0x41: {  	[sflag:s17] =	ssyncset.done $0x0  }
0x42: {  	s23 =	sadd.s32 s22, s14;
	s22 =	smov.u32 s25;
	[sflag:s17] =	ssyncadd.s32 $0xFFFFFF80  }
0x43: {  	[tilespmem:s18], [sflag:$0x2] =	stream.linear.gather [hbm4b:s23+s5], $0x80, $0x38;
	[tilespmem:$0x17D00] =	vst v63  }
0x44: {  	_ =	swait.ge [sflag:s17], $0x80  }
0x45: {  	[sflag:s17] =	ssyncset.done $0x0  }
0x46: {  	[sflag:s17] =	ssyncadd.s32 $0xFFFFFF80  }
0x47: {  	[tilespmem:s19], [sflag:$0x1] =	stream.indirect.gather [hbm4b:s3+s18], $0x80, s5, s18, $0xb8;
	[tilespmem:$0x17D00] =	vst v63  }
0x48: {  	_ =	swait.ge [sflag:s20], $0x4000  }
.Ltmp3:
0x49: {  	[sflag:s20] =	ssyncset.done $0x0;
	(pc) =	sbr.rel @p1 .LBB2_6-.Ltmp3, $4  }
0x4a: {  	[sflag:s20] =	ssyncadd.s32 $0xFFFFC000  }
0x4b: {  	[spmem:s4] =	stream.indirect.scatter.add.f32 [tilespmem:s19], [sflag:$0x2], $0x80, s18, s18, $0xb8;
	[tilespmem:$0x17D00] =	vst v63  }
0x4c: {  	_ =	swait.ge [sflag:s17], $0x4000  }
0x4d: {  	s23 =	smov.u32 s26;
	[sflag:s17] =	ssyncset.done $0x0  }
.Ltmp4:
0x4e: {  	_ = 	snop;
	(pc) =	sbr.rel .LBB2_7-.Ltmp4, $1  }
0x4f: {  	_ =	sdelay $0x3  }
.LBB2_2:
0x50: {  	s22 =	sadd.s32 $0x0, s13  }
0x51: {  	[tilespmem:s5], [sflag:$0x2] =	stream.linear.gather [hbm4b:s22+s5], $0x80, $0x38;
	[tilespmem:$0x17D00] =	vst v63  }
0x52: {  	_ =	swait.ge [sflag:s17], $0x80  }
0x53: {  	[sflag:s17] =	ssyncset.done $0x0  }
0x54: {  	s31 =	sadd.s32 $0x0, s12;
	[sflag:s17] =	ssyncadd.s32 $0xFFFFFF80  }
0x55: {  	[tilespmem:s18], [sflag:$0x2] =	stream.linear.gather [hbm4b:s31+s5], $0x80, $0x38;
	[tilespmem:$0x17D00] =	vst v63  }
0x56: {  	_ =	swait.ge [sflag:s17], $0x80  }
0x57: {  	[sflag:s17] =	ssyncset.done $0x0  }
0x58: {  	[sflag:s17] =	ssyncadd.s32 $0xFFFFFF80  }
0x59: {  	[tilespmem:s19], [sflag:$0x1] =	stream.indirect.gather [hbm4b:s2+s18], $0x80, s5, s18, $0xb8;
	[tilespmem:$0x17D00] =	vst v63  }
0x5a: {  	_ =	swait.ge [sflag:s20], $0x4000  }
0x5b: {  	[sflag:s20] =	ssyncset.done $0x0  }
0x5c: {  	[sflag:s20] =	ssyncadd.s32 $0xFFFFC000  }
0x5d: {  	[spmem:s4] =	stream.indirect.scatter.add.f32 [tilespmem:s19], [sflag:$0x2], $0x80, s18, s18, $0xb8;
	[tilespmem:$0x17D00] =	vst v63  }
0x5e: {  	_ =	swait.ge [sflag:s17], $0x4000  }
0x5f: {  	s23 =	simm.s32 $0x20;
	s22 =	simm.s32 $0x10;
	[sflag:s17] =	ssyncset.done $0x0  }
.LBB2_3:
0x60: {  	s24 =	sadd.s32 s22, s13  }
0x61: {  	[sflag:s17] =	ssyncadd.s32 $0xFFFFC000;
	s25 =	smov.u32 s23;
	s26 =	sadd.s32 $0x10, s23  }
0x62: {  	[tilespmem:s5], [sflag:$0x2] =	stream.linear.gather [hbm4b:s24+s5], $0x80, $0x38;
	[tilespmem:$0x17D00] =	vst v63  }
0x63: {  	p1 =	seq.s32 s23, $0x9C0;
	_ =	swait.ge [sflag:s17], $0x80  }
0x64: {  	[sflag:s17] =	ssyncset.done $0x0  }
0x65: {  	s23 =	sadd.s32 s22, s12;
	s22 =	smov.u32 s25;
	[sflag:s17] =	ssyncadd.s32 $0xFFFFFF80  }
0x66: {  	[tilespmem:s18], [sflag:$0x2] =	stream.linear.gather [hbm4b:s23+s5], $0x80, $0x38;
	[tilespmem:$0x17D00] =	vst v63  }
0x67: {  	_ =	swait.ge [sflag:s17], $0x80  }
0x68: {  	[sflag:s17] =	ssyncset.done $0x0  }
0x69: {  	[sflag:s17] =	ssyncadd.s32 $0xFFFFFF80  }
0x6a: {  	[tilespmem:s19], [sflag:$0x1] =	stream.indirect.gather [hbm4b:s2+s18], $0x80, s5, s18, $0xb8;
	[tilespmem:$0x17D00] =	vst v63  }
0x6b: {  	_ =	swait.ge [sflag:s20], $0x4000  }
.Ltmp5:
0x6c: {  	[sflag:s20] =	ssyncset.done $0x0;
	(pc) =	sbr.rel @!p1 .LBB2_3-.Ltmp5, $4  }
0x6d: {  	[sflag:s20] =	ssyncadd.s32 $0xFFFFC000  }
0x6e: {  	[spmem:s4] =	stream.indirect.scatter.add.f32 [tilespmem:s19], [sflag:$0x2], $0x80, s18, s18, $0xb8;
	[tilespmem:$0x17D00] =	vst v63  }
0x6f: {  	_ =	swait.ge [sflag:s17], $0x4000  }
0x70: {  	s23 =	smov.u32 s26;
	[sflag:s17] =	ssyncset.done $0x0  }
0x71: {  	s23 =	sadd.s32 s22, s13;
	[sflag:s17] =	ssyncadd.s32 $0xFFFFC000  }
0x72: {  	[tilespmem:s5], [sflag:$0x2] =	stream.linear.gather [hbm4b:s23+s5], $0x80, $0x38;
	[tilespmem:$0x17D00] =	vst v63  }
0x73: {  	_ =	swait.ge [sflag:s17], $0x80  }
0x74: {  	[sflag:s17] =	ssyncset.done $0x0  }
0x75: {  	s31 =	sadd.s32 s22, s12;
	[sflag:s17] =	ssyncadd.s32 $0xFFFFFF80  }
0x76: {  	[tilespmem:s18], [sflag:$0x2] =	stream.linear.gather [hbm4b:s31+s5], $0x80, $0x38;
	[tilespmem:$0x17D00] =	vst v63  }
0x77: {  	_ =	swait.ge [sflag:s17], $0x80  }
0x78: {  	[sflag:s17] =	ssyncset.done $0x0  }
0x79: {  	[sflag:s17] =	ssyncadd.s32 $0xFFFFFF80  }
0x7a: {  	[tilespmem:s19], [sflag:$0x1] =	stream.indirect.gather [hbm4b:s2+s18], $0x80, s5, s18, $0xb8;
	[tilespmem:$0x17D00] =	vst v63  }
0x7b: {  	_ =	swait.ge [sflag:s20], $0x4000  }
0x7c: {  	[sflag:s20] =	ssyncset.done $0x0  }
.Ltmp6:
0x7d: {  	[sflag:s20] =	ssyncadd.s32 $0xFFFFC000;
	(pc) =	sbr.rel .LBB2_8-.Ltmp6, $4  }
0x7e: {  	[spmem:s4] =	stream.indirect.scatter.add.f32 [tilespmem:s19], [sflag:$0x2], $0x80, s18, s18, $0xb8;
	[tilespmem:$0x17D00] =	vst v63  }
0x7f: {  	_ =	swait.ge [sflag:s17], $0x4000  }
0x80: {  	[sflag:s17] =	ssyncset.done $0x0  }
0x81: {  	s22 =	smov.u32 s7;
	[sflag:s17] =	ssyncadd.s32 $0xFFFFC000  }
.LBB2_9:
0x82: {  	_ =	sfence.sel $0x180000  }
0x83: {  	[bflag:$0x0] =	sbarrier.arrive $0xFFFF  }
0x84: {  	p0 =	sne.s32 s1, $0x0;
	_ =	strace $0x9000004A  }
0x85: {  	s0 =	sadd.s32 @!p0 $0x100000, s0;
	[bflag:$0x2] =	sbarrier.arrive $0xFFFF  }
0x86: {  	[sflag:s0] =	ssyncadd.tile.s32 @!p0 $0x1;
	_ =	shalt  }
.Lfunc_end2:
_tile_overlayer_lowered:
.L_overlay_start_2:
0x87: {  	(tag) =	ssettag $0x2  }
0x88: {  	s0 =	rddreg [dreg:$0x0];
	s2 =	stileid.u32  }
0x89: {  	s1 =	rddreg [dreg:$0x1];
	p0 =	sne.s32 s2, $0x0  }
0x8a: {  	s3 =	rddreg [dreg:$0x2];
	[bflag:$0x3] =	sbarrier.arrive $0xFFFF;
	s2 =	simm.s32 @!p0 $0x1C02  }
0x8b: {  	[timem:s3], [sflag:s2] =	dma.local @!p0 [hbm:s0], s1  }
0x8c: {  	s0 =	simm.s32 @!p0 $0x2  }
0x8d: {  	_ =	swait.ge @!p0 [sflag:s0], s1  }
0x8e: {  	s1 =	ssub.s32 @!p0 $0x0, s1;
	[sflag:s0] =	ssyncset.done @!p0 $0x0  }
0x8f: {  	[sflag:s0] =	ssyncadd.s32 @!p0 s1  }
0x90: {  	[bflag:$0x3] =	sbarrier.arrive $0xFFFF  }
0x91: {  	_ =	shalt  }

// kernel: kernel.17.cloned.1.call-start
scs
__scs_entry_jumppad:
0x0: {  	(pc) =	sbr.rel $0x88, $3  }
0x1: {  	(tag) =	ssettag $0x0;
	lr =	simm.s32 $0x1  }
0x2: {  	[smem:$0x3F95] =	sst lr;
	_ =	strace $0xD0000000  }
0x3: {  	_ = 	snop  }
0x4: {  	_ = 	snop  }
0x5: {  	_ = 	snop  }
0x6: {  	_ = 	snop  }
0x7: {  	_ = 	snop  }
__scs_overlays_trampoline_lowered:
0x8: {  	[smem:$0x3FA4] =	sst s0  }
0x9: {  	[smem:$0x3FA5] =	sst s1  }
0xa: {  	[smem:$0x3FA6] =	sst s2  }
0xb: {  	[smem:$0x3FA7] =	sst s3  }
0xc: {  	[smem:$0x3FA8] =	sst s4  }
0xd: {  	[smem:$0x3FA9] =	sst s5  }
0xe: {  	[smem:$0x3FAA] =	sst s6  }
0xf: {  	[smem:$0x3FAB] =	sst s7  }
0x10: {  	[smem:$0x3FAC] =	sst s8  }
0x11: {  	[smem:$0x3FAD] =	sst s9;
	s0 =	simm.s32 @!p0 $0x0  }
0x12: {  	s1 =	sld [smem:$0x3F93];
	s0 =	simm.s32 @p0 $0x1  }
0x13: {  	[smem:$0x3FAE] =	sst s0;
	s0 =	simm.s32 @!p1 $0x0  }
0x14: {  	s2 =	sld [smem:$0x3F92];
	s0 =	simm.s32 @p1 $0x1  }
0x15: {  	[smem:$0x3FAF] =	sst s0;
	s0 =	simm.s32 @!p2 $0x0  }
0x16: {  	s3 =	sld [smem:$0x3FDB];
	s0 =	simm.s32 @p2 $0x1  }
0x17: {  	s4 =	simm.s32 $0x1BF5;
	[smem:$0x3FB1] =	sst s0  }
0x18: {  	s0 =	sld [smem:$0x3F94];
	_ =	swait.ge [sflag:s4], $0x0  }
0x19: {  	s7 =	sld [smem:$0x3F95]  }
0x1a: {  	s8 =	sadd.s32 $0xFFFFE003, lr  }
0x1b: {  	s9 =	sadd.s32 $0xFFFFFEF7, lr;
	s5 =	simm.s32 $0xFFFFFFFF;
	p2 =	slt.u32 s8, $0xFFFFF086  }
0x1c: {  	p1 =	slt.u32 s9, $0xF7A;
	s5 =	simm.s32 @!p2 $0x0  }
0x1d: {  	s5 =	simm.s32 @p1 $0x1;
	p0 =	seq.s32 s7, s2  }
0x1e: {  	s7 =	smul.u32 @!p0 $0xF7A, s2;
	p2 =	seq.s32 @!p0 s5, $0x0  }
0x1f: {  	s9 =	smul.u32 $0xF7A, s1;
	s8 =	simm.s32 @!p0 $0x1BF5;
	p2 =	por !p2, p0  }
0x20: {  	[sflag:s8] =	ssyncset.s32 @!p0 $0xFFFFF086;
	s6 =	sadd.s32 @!p0 s3, s7;
	s7 =	simm.s32 @!p0 $0x108  }
0x21: {  	s3 =	sadd.s32 s3, s9;
	s6 =	sadd.s32 @!p0 $0x88, s6;
	s7 =	simm.s32 @p2 $0x1082  }
0x22: {  	[simem:s7], [sflag:s8] =	dma.local @!p0 [hbm:s6], $0xF7A  }
0x23: {  	s9 =	sor.u32 $0xD0000000, s2;
	s6 =	simm.s32 $0x108;
	_ =	swait.ge @!p0 [sflag:s8], $0x0  }
0x24: {  	s3 =	sadd.s32 $0x88, s3;
	s6 =	simm.s32 @!p1 $0x1082;
	[sflag:s4] =	ssyncset.s32 $0xFFFFF086  }
0x25: {  	[simem:s6], [sflag:s4] =	dma.local [hbm:s3], $0xF7A  }
0x26: {  	[smem:$0x3F95] =	sst s1;
	(tag) =	ssettag s2;
	_ =	strace s9  }
0x27: {  	s1 =	sld [smem:$0x3FA5]  }
0x28: {  	s2 =	sld [smem:$0x3FA6]  }
0x29: {  	s4 =	sld [smem:$0x3FA8]  }
0x2a: {  	p0 =	seq.s32 s5, $0x0;
	s5 =	sld [smem:$0x3FA9]  }
0x2b: {  	s6 =	sld [smem:$0x3FAA]  }
0x2c: {  	s7 =	sld [smem:$0x3FAB]  }
0x2d: {  	s3 =	simm.s32 $0x108;
	s8 =	sld [smem:$0x3FAC]  }
0x2e: {  	s3 =	simm.s32 @!p0 $0x1082;
	s9 =	sld [smem:$0x3FAD]  }
0x2f: {  	lr =	sadd.s32 s0, s3;
	s0 =	sld [smem:$0x3FA4]  }
0x30: {  	s3 =	sld [smem:$0x3FA7]  }
0x31: {  	[smem:$0x3FB0] =	sst s10  }
0x32: {  	s10 =	sld [smem:$0x3FAE];
	_ =	sdelay $0x3  }
0x33: {  	p0 =	seq.s32 s10, $0x1;
	s10 =	sld [smem:$0x3FB0];
	_ =	sdelay $0x3  }
0x34: {  	[smem:$0x3FB0] =	sst s10  }
0x35: {  	s10 =	sld [smem:$0x3FAF];
	_ =	sdelay $0x3  }
0x36: {  	p1 =	seq.s32 s10, $0x1;
	s10 =	sld [smem:$0x3FB0];
	_ =	sdelay $0x3  }
0x37: {  	[smem:$0x3FB0] =	sst s10  }
0x38: {  	s10 =	sld [smem:$0x3FB1]  }
0x39: {  	_ = 	snop;
	(pc) =	sbr.ind lr, $3  }
0x3a: {  	_ = 	snop  }
0x3b: {  	_ = 	snop  }
0x3c: {  	p2 =	seq.s32 s10, $0x1;
	s10 =	sld [smem:$0x3FB0]  }
0x3d: {  	_ =	shalt  }
0x3e: {  	_ =	shalt  }
0x3f: {  	_ =	shalt  }
0x40: {  	_ =	shalt  }
0x41: {  	_ =	shalt  }
0x42: {  	_ =	shalt  }
0x43: {  	_ =	shalt  }
0x44: {  	_ =	shalt  }
0x45: {  	_ =	shalt  }
0x46: {  	_ =	shalt  }
0x47: {  	_ =	shalt  }
0x48: {  	_ =	shalt  }
0x49: {  	_ =	shalt  }
0x4a: {  	_ =	shalt  }
0x4b: {  	_ =	shalt  }
0x4c: {  	_ =	shalt  }
0x4d: {  	_ =	shalt  }
0x4e: {  	_ =	shalt  }
0x4f: {  	_ =	shalt  }
0x50: {  	_ =	shalt  }
0x51: {  	_ =	shalt  }
0x52: {  	_ =	shalt  }
0x53: {  	_ =	shalt  }
0x54: {  	_ =	shalt  }
0x55: {  	_ =	shalt  }
0x56: {  	_ =	shalt  }
0x57: {  	_ =	shalt  }
0x58: {  	_ =	shalt  }
0x59: {  	_ =	shalt  }
0x5a: {  	_ =	shalt  }
0x5b: {  	_ =	shalt  }
0x5c: {  	_ =	shalt  }
0x5d: {  	_ =	shalt  }
0x5e: {  	_ =	shalt  }
0x5f: {  	_ =	shalt  }
0x60: {  	_ =	shalt  }
0x61: {  	_ =	shalt  }
0x62: {  	_ =	shalt  }
0x63: {  	_ =	shalt  }
0x64: {  	_ =	shalt  }
0x65: {  	_ =	shalt  }
0x66: {  	_ =	shalt  }
0x67: {  	_ =	shalt  }
0x68: {  	_ =	shalt  }
0x69: {  	_ =	shalt  }
0x6a: {  	_ =	shalt  }
0x6b: {  	_ =	shalt  }
0x6c: {  	_ =	shalt  }
0x6d: {  	_ =	shalt  }
0x6e: {  	_ =	shalt  }
0x6f: {  	_ =	shalt  }
0x70: {  	_ =	shalt  }
0x71: {  	_ =	shalt  }
0x72: {  	_ =	shalt  }
0x73: {  	_ =	shalt  }
0x74: {  	_ =	shalt  }
0x75: {  	_ =	shalt  }
0x76: {  	_ =	shalt  }
0x77: {  	_ =	shalt  }
0x78: {  	_ =	shalt  }
0x79: {  	_ =	shalt  }
0x7a: {  	_ =	shalt  }
0x7b: {  	_ =	shalt  }
0x7c: {  	_ =	shalt  }
0x7d: {  	_ =	shalt  }
0x7e: {  	_ =	shalt  }
0x7f: {  	_ =	shalt  }
0x80: {  	_ =	shalt  }
0x81: {  	_ =	shalt  }
0x82: {  	_ =	shalt  }
0x83: {  	_ =	shalt  }
0x84: {  	_ =	shalt  }
0x85: {  	_ =	shalt  }
0x86: {  	_ =	shalt  }
0x87: {  	_ =	shalt  }
.Lfunc_end0:
.L_simem_size_0:
called_computation.2_lowered:
.L_overlay_start_0:
0x88: {  	s2 =	sld [smem:$0x3FD9]  }
0x89: {  	s3 =	sld [smem:$0x3FFE];
	_ =	sdelay $0x1  }
0x8a: {  	s1 =	srdreg.scid  }
0x8b: {  	s0 =	sand.u32 $0x1, s1  }
0x8c: {  	s14 =	sshll.u32 s0, $0xA;
	s2 =	sadd.s32 s3, s2  }
0x8d: {  	s2 =	sadd.s32 s2, s14  }
0x8e: {  	[smem:$0x3FBC] =	sst s2  }
0x8f: {  	_ = 	snop  }
0x90: {  	s2 =	sld [smem:$0x3FD0];
	_ =	sdelay $0x2  }
0x91: {  	s15 =	simm.s32 $0xA;
	s4 =	simm.s32 $0x10  }
0x92: {  	[smem:s4], [sflag:s15] =	dma.local [hbm:s2], $0x1  }
0x93: {  	_ =	swait.eq [sflag:s15], $0x1  }
0x94: {  	[sflag:s15] =	ssyncset.done $0x0  }
0x95: {  	[sflag:s15] =	ssyncadd.s32 $0xFFFFFFFF  }
0x96: {  	s16 =	sld [smem:$0x11];
	(tm) =	ssettm $0x1  }
0x97: {  	s17 =	sld [smem:$0x3FFB];
	_ =	sdelay $0x3  }
0x98: {  	_ =	strace s17  }
0x99: {  	s3 =	sld [smem:$0x3FFC];
	_ =	sdelay $0x3  }
0x9a: {  	_ =	strace s3  }
0x9b: {  	s3 =	sld [smem:$0x3FFD];
	_ =	sdelay $0x3  }
0x9c: {  	_ =	strace s3  }
0x9d: {  	_ =	strace $0x8FFFFFFF  }
0x9e: {  	s18 =	sld [smem:$0x3FDB];
	_ =	sdelay $0x1  }
0x9f: {  	s19 =	simm.s32 $_scs_section_size  }
0xa0: {  	s5 =	simm.s32 $_size__tile_overlayer_lowered;
	s6 =	simm.s32 $_tile_overlayer_lowered  }
0xa1: {  	s22 =	simm.s32 $0x1BFF;
	s21 =	sshll.u32 s6, $0x1;
	s3 =	sadd.s32 s19, s18  }
0xa2: {  	s7 =	simm.s32 $0x0;
	s20 =	sshll.u32 s5, $0x1;
	s5 =	sadd.s32 s21, s3  }
0xa3: {  	[timem:s7], [sflag:s22] =	dma.local [hbm:s5], s20  }
0xa4: {  	_ =	swait.ge [sflag:s22], s20  }
0xa5: {  	s4 =	ssub.s32 $0x0, s20;
	[sflag:s22] =	ssyncset.done $0x0  }
0xa6: {  	[sflag:s22] =	ssyncadd.s32 s4;
	_ =	sdelay $0x1  }
0xa7: {  	s23 =	simm.s32 $0x1B8B  }
0xa8: {  	_ =	swait.ge [sflag:s23], $0x1  }
0xa9: {  	[sflag:s23] =	ssyncset.done $0x0  }
0xaa: {  	s25 =	simm.s32 $0x1B8E;
	s24 =	sld [smem:$0x3FFE];
	[sflag:s23] =	ssyncadd.s32 $0xFFFFFFFF  }
0xab: {  	s26 =	simm.s32 $execute0_lowered;
	[smem:$0x3FD2] =	sst s25  }
0xac: {  	s5 =	sshll.u32 s26, $0x1;
	_ =	strace $0x8000004C;
	[dreg:$0x1] =	wrdreg $0xFFFFFFFF  }
0xad: {  	s28 =	simm.s32 $_size_execute0_lowered;
	s3 =	sadd.s32 s3, s5;
	[dreg:$0x0] =	wrdreg $0x0  }
0xae: {  	s5 =	sshll.u32 s28, $0x1;
	[dreg:$0x2] =	wrdreg s3  }
0xaf: {  	[dreg:$0x3] =	wrdreg s5  }
0xb0: {  	[dreg:$0x4] =	wrdreg $0xC0  }
0xb1: {  	_ =	task [dreg:s7], $0x5FFFF  }
0xb2: {  	[dreg:$0x1] =	wrdreg $0xFFFFFFFF  }
0xb3: {  	[dreg:$0x0] =	wrdreg $0x60  }
0xb4: {  	[dreg:$0x2] =	wrdreg s16  }
0xb5: {  	[dreg:$0x3] =	wrdreg s24  }
0xb6: {  	[dreg:$0x4] =	wrdreg $0x41000  }
0xb7: {  	[dreg:$0x5] =	wrdreg $0x9  }
0xb8: {  	_ =	task.clear_ibuf [dreg:s7], $0x6FFFF;
	_ =	strace $0x9000004C  }
0xb9: {  	s29 =	simm.s32 $0x9;
	_ =	strace $0x8000004E  }
0xba: {  	_ =	swait.ge [sflag:s29], $0x1  }
0xbb: {  	[sflag:s29] =	ssyncadd.s32 $0xFFFFFFFF  }
0xbc: {  	_ =	strace $0x9000004E  }
0xbd: {  	_ =	sfence  }
0xbe: {  	s30 =	sld [smem:$0x0];
	_ =	sdelay $0x2  }
0xbf: {  	s31 =	sshll.u32 s1, $0xD;
	s1 =	sshrl.u32 s1, $0x2  }
0xc0: {  	s3 =	sand.u32 $0x4000, s31;
	s1 =	sadd.s32 s1, s30  }
0xc1: {  	s0 =	sor.u32 s3, s0;
	s1 =	sshll.u32 s1, $0x11  }
0xc2: {  	s0 =	sor.u32 s1, s0  }
0xc3: {  	s0 =	sadd.s32 $0x8F2B, s0  }
0xc4: {  	[sflag:s0] =	ssyncadd.remote.s32 $0x1  }
0xc5: {  	_ =	sfence.sel $0xFFFF  }
0xc6: {  	[dreg:$0x0] =	wrdreg $0xFFFFFFFF;
	(pc) =	sbr.abs _section_cstart, $3  }
0xc7: {  	[dreg:$0x1] =	wrdreg $0xFFFFFFFF  }
0xc8: {  	_ =	task.clear_ibuf [dreg:s7], $0x2FFFF;
	_ =	strace $0x9FFFFFFF  }
0xc9: {  	(tm) =	ssettm $0x7FFFFFFF  }
tec
execute0_lowered:
.L_overlay_start_1:
0x0: {  	(tag) =	ssettag $0x1  }
0x1: {  	s1 =	rddreg [dreg:$0x0]  }
0x2: {  	s8 =	rddreg [dreg:$0x1]  }
0x3: {  	s3 =	rddreg [dreg:$0x2]  }
0x4: {  	s0 =	rddreg [dreg:$0x3];
	s4 =	simm.s32 $0x0  }
0x5: {  	s2 =	stileid.u32;
	s7 =	srdreg.scid;
	s17 =	simm.s32 $0x2  }
0x6: {  	s18 =	simm.s32 $0x80;
	s19 =	simm.s32 $0x100;
	s20 =	simm.s32 $0x1  }
0x7: {  	s21 =	simm.s32 $0x0;
	[smem:$0x7FF] =	sst s4;
	s6 =	smul.u32 $0x9D0, s2  }
0x8: {  	s5 =	sadd.s32 $0x43400, s8;
	s10 =	sand.u32 $0x1, s7;
	s11 =	smul.u32 $0x4F000, s2  }
0x9: {  	s7 =	sadd.s32 $0x7EE00, s8;
	s31 =	sshll.u32 s2, $0x6;
	_ =	strace $0x8000004D  }
0xa: {  	s9 =	ssub.s32 $0x2, s10;
	p0 =	seq.s32 s10, $0x1;
	s10 =	smul.u32 $0x2780, s2  }
.Ltmp0:
0xb: {  	s15 =	sadd.s32 s6, s8;
	s6 =	sadd.s32 $0x19A00, s8;
	(pc) =	sbr.rel .LBB2_1-.Ltmp0, $4  }
0xc: {  	s8 =	sadd.s32 $0xA6600, s8;
	s12 =	sshrl.u32 s9, $0x1;
	s30 =	sshrl.u32 s11, $0x2  }
0xd: {  	s12 =	ssub.s32 s9, s12;
	s16 =	sadd.s32 s30, s3;
	s9 =	sor.u32 $0x1C02, s31  }
0xe: {  	s13 =	sadd.s32 $0x6B200, s15;
	s14 =	sadd.s32 $0xFC00, s15;
	s11 =	smax.u32 s12, $0x1  }
0xf: {  	s12 =	sadd.s32 $0x5E00, s15;
	s15 =	sadd.s32 $0x75000, s15;
	s16 =	sshrl.u32 s16, $0x3  }
.LBB2_7:
0x10: {  	s23 =	sadd.s32 s22, s15;
	[sflag:s17] =	ssyncadd.s32 $0xFFFFC000  }
0x11: {  	[tilespmem:s4], [sflag:$0x2] =	stream.linear.gather [hbm4b:s23+s4], $0x80, $0x38;
	[tilespmem:$0x17D00] =	vst v63  }
0x12: {  	_ =	swait.ge [sflag:s17], $0x80  }
0x13: {  	[sflag:s17] =	ssyncset.done $0x0  }
0x14: {  	s31 =	sadd.s32 s22, s14;
	[sflag:s17] =	ssyncadd.s32 $0xFFFFFF80  }
0x15: {  	[tilespmem:s18], [sflag:$0x2] =	stream.linear.gather [hbm4b:s31+s4], $0x80, $0x38;
	[tilespmem:$0x17D00] =	vst v63  }
0x16: {  	_ =	swait.ge [sflag:s17], $0x80  }
0x17: {  	[sflag:s17] =	ssyncset.done $0x0  }
0x18: {  	[sflag:s17] =	ssyncadd.s32 $0xFFFFFF80  }
0x19: {  	[tilespmem:s19], [sflag:$0x1] =	stream.indirect.gather [hbm4b:s5+s18], $0x80, s4, s18, $0xb8;
	[tilespmem:$0x17D00] =	vst v63  }
0x1a: {  	_ =	swait.ge [sflag:s20], $0x4000  }
0x1b: {  	[sflag:s20] =	ssyncset.done $0x0  }
0x1c: {  	[sflag:s20] =	ssyncadd.s32 $0xFFFFC000  }
0x1d: {  	[spmem:s3] =	stream.indirect.scatter.add.f32 [tilespmem:s19], [sflag:$0x2], $0x80, s18, s18, $0xb8;
	[tilespmem:$0x17D00] =	vst v63  }
0x1e: {  	_ =	swait.ge [sflag:s17], $0x4000  }
0x1f: {  	[sflag:s17] =	ssyncset.done $0x0  }
0x20: {  	s22 =	smov.u32 s8;
	[sflag:s17] =	ssyncadd.s32 $0xFFFFC000  }
.LBB2_8:
0x21: {  	s21 =	sadd.s32 $0x1, s21  }
0x22: {  	p1 =	sne.s32 s21, s11  }
.Ltmp1:
0x23: {  	s22 =	sadd.s32 s22, s10;
	[bflag:$0x0] =	sbarrier.arrive $0xFFFF;
	(pc) =	sbr.rel @!p1 .LBB2_9-.Ltmp1, $4  }
0x24: {  	[hbm:s22], [sflag:s9] =	dma.local [spmem:s16], $0x2780  }
0x25: {  	_ =	swait.ge [sflag:s17], $0x2780  }
0x26: {  	[sflag:s17] =	ssyncset.done $0x0  }
0x27: {  	[sflag:s17] =	ssyncadd.s32 $0xFFFFD880  }
.LBB2_1:
0x28: {  	[spmem:s16], [sflag:s9] =	dma.local [hbm:s6], $0x2780  }
.Ltmp2:
0x29: {  	_ =	swait.ge [sflag:s17], $0x2780;
	(pc) =	sbr.rel @!p0 .LBB2_2-.Ltmp2, $3  }
0x2a: {  	[sflag:s17] =	ssyncset.done $0x0  }
0x2b: {  	[sflag:s17] =	ssyncadd.s32 $0xFFFFD880  }
0x2c: {  	[bflag:$0x0] =	sbarrier.arrive $0xFFFF;
	_ =	sdelay $0x1  }
0x2d: {  	s22 =	sadd.s32 $0x0, s15  }
0x2e: {  	[tilespmem:s4], [sflag:$0x2] =	stream.linear.gather [hbm4b:s22+s4], $0x80, $0x38;
	[tilespmem:$0x17D00] =	vst v63  }
0x2f: {  	_ =	swait.ge [sflag:s17], $0x80  }
0x30: {  	[sflag:s17] =	ssyncset.done $0x0  }
0x31: {  	s31 =	sadd.s32 $0x0, s14;
	[sflag:s17] =	ssyncadd.s32 $0xFFFFFF80  }
0x32: {  	[tilespmem:s18], [sflag:$0x2] =	stream.linear.gather [hbm4b:s31+s4], $0x80, $0x38;
	[tilespmem:$0x17D00] =	vst v63  }
0x33: {  	_ =	swait.ge [sflag:s17], $0x80  }
0x34: {  	[sflag:s17] =	ssyncset.done $0x0  }
0x35: {  	[sflag:s17] =	ssyncadd.s32 $0xFFFFFF80  }
0x36: {  	[tilespmem:s19], [sflag:$0x1] =	stream.indirect.gather [hbm4b:s5+s18], $0x80, s4, s18, $0xb8;
	[tilespmem:$0x17D00] =	vst v63  }
0x37: {  	_ =	swait.ge [sflag:s20], $0x4000  }
0x38: {  	[sflag:s20] =	ssyncset.done $0x0  }
0x39: {  	[sflag:s20] =	ssyncadd.s32 $0xFFFFC000  }
0x3a: {  	[spmem:s3] =	stream.indirect.scatter.add.f32 [tilespmem:s19], [sflag:$0x2], $0x80, s18, s18, $0xb8;
	[tilespmem:$0x17D00] =	vst v63  }
0x3b: {  	_ =	swait.ge [sflag:s17], $0x4000  }
0x3c: {  	s23 =	simm.s32 $0x20;
	s22 =	simm.s32 $0x10;
	[sflag:s17] =	ssyncset.done $0x0  }
.LBB2_6:
0x3d: {  	s24 =	sadd.s32 s22, s15  }
0x3e: {  	[sflag:s17] =	ssyncadd.s32 $0xFFFFC000;
	s25 =	smov.u32 s23;
	s26 =	sadd.s32 $0x10, s23  }
0x3f: {  	[tilespmem:s4], [sflag:$0x2] =	stream.linear.gather [hbm4b:s24+s4], $0x80, $0x38;
	[tilespmem:$0x17D00] =	vst v63  }
0x40: {  	p1 =	sne.s32 s23, $0x9C0;
	_ =	swait.ge [sflag:s17], $0x80  }
0x41: {  	[sflag:s17] =	ssyncset.done $0x0  }
0x42: {  	s23 =	sadd.s32 s22, s14;
	s22 =	smov.u32 s25;
	[sflag:s17] =	ssyncadd.s32 $0xFFFFFF80  }
0x43: {  	[tilespmem:s18], [sflag:$0x2] =	stream.linear.gather [hbm4b:s23+s4], $0x80, $0x38;
	[tilespmem:$0x17D00] =	vst v63  }
0x44: {  	_ =	swait.ge [sflag:s17], $0x80  }
0x45: {  	[sflag:s17] =	ssyncset.done $0x0  }
0x46: {  	[sflag:s17] =	ssyncadd.s32 $0xFFFFFF80  }
0x47: {  	[tilespmem:s19], [sflag:$0x1] =	stream.indirect.gather [hbm4b:s5+s18], $0x80, s4, s18, $0xb8;
	[tilespmem:$0x17D00] =	vst v63  }
0x48: {  	_ =	swait.ge [sflag:s20], $0x4000  }
.Ltmp3:
0x49: {  	[sflag:s20] =	ssyncset.done $0x0;
	(pc) =	sbr.rel @p1 .LBB2_6-.Ltmp3, $4  }
0x4a: {  	[sflag:s20] =	ssyncadd.s32 $0xFFFFC000  }
0x4b: {  	[spmem:s3] =	stream.indirect.scatter.add.f32 [tilespmem:s19], [sflag:$0x2], $0x80, s18, s18, $0xb8;
	[tilespmem:$0x17D00] =	vst v63  }
0x4c: {  	_ =	swait.ge [sflag:s17], $0x4000  }
0x4d: {  	s23 =	smov.u32 s26;
	[sflag:s17] =	ssyncset.done $0x0  }
.Ltmp4:
0x4e: {  	_ = 	snop;
	(pc) =	sbr.rel .LBB2_7-.Ltmp4, $1  }
0x4f: {  	_ =	sdelay $0x3  }
.LBB2_2:
0x50: {  	s22 =	sadd.s32 $0x0, s13  }
0x51: {  	[tilespmem:s4], [sflag:$0x2] =	stream.linear.gather [hbm4b:s22+s4], $0x80, $0x38;
	[tilespmem:$0x17D00] =	vst v63  }
0x52: {  	_ =	swait.ge [sflag:s17], $0x80  }
0x53: {  	[sflag:s17] =	ssyncset.done $0x0  }
0x54: {  	s31 =	sadd.s32 $0x0, s12;
	[sflag:s17] =	ssyncadd.s32 $0xFFFFFF80  }
0x55: {  	[tilespmem:s18], [sflag:$0x2] =	stream.linear.gather [hbm4b:s31+s4], $0x80, $0x38;
	[tilespmem:$0x17D00] =	vst v63  }
0x56: {  	_ =	swait.ge [sflag:s17], $0x80  }
0x57: {  	[sflag:s17] =	ssyncset.done $0x0  }
0x58: {  	[sflag:s17] =	ssyncadd.s32 $0xFFFFFF80  }
0x59: {  	[tilespmem:s19], [sflag:$0x1] =	stream.indirect.gather [hbm4b:s1+s18], $0x80, s4, s18, $0xb8;
	[tilespmem:$0x17D00] =	vst v63  }
0x5a: {  	_ =	swait.ge [sflag:s20], $0x4000  }
0x5b: {  	[sflag:s20] =	ssyncset.done $0x0  }
0x5c: {  	[sflag:s20] =	ssyncadd.s32 $0xFFFFC000  }
0x5d: {  	[spmem:s3] =	stream.indirect.scatter.add.f32 [tilespmem:s19], [sflag:$0x2], $0x80, s18, s18, $0xb8;
	[tilespmem:$0x17D00] =	vst v63  }
0x5e: {  	_ =	swait.ge [sflag:s17], $0x4000  }
0x5f: {  	s23 =	simm.s32 $0x20;
	s22 =	simm.s32 $0x10;
	[sflag:s17] =	ssyncset.done $0x0  }
.LBB2_3:
0x60: {  	s24 =	sadd.s32 s22, s13  }
0x61: {  	[sflag:s17] =	ssyncadd.s32 $0xFFFFC000;
	s25 =	smov.u32 s23;
	s26 =	sadd.s32 $0x10, s23  }
0x62: {  	[tilespmem:s4], [sflag:$0x2] =	stream.linear.gather [hbm4b:s24+s4], $0x80, $0x38;
	[tilespmem:$0x17D00] =	vst v63  }
0x63: {  	p1 =	seq.s32 s23, $0x9C0;
	_ =	swait.ge [sflag:s17], $0x80  }
0x64: {  	[sflag:s17] =	ssyncset.done $0x0  }
0x65: {  	s23 =	sadd.s32 s22, s12;
	s22 =	smov.u32 s25;
	[sflag:s17] =	ssyncadd.s32 $0xFFFFFF80  }
0x66: {  	[tilespmem:s18], [sflag:$0x2] =	stream.linear.gather [hbm4b:s23+s4], $0x80, $0x38;
	[tilespmem:$0x17D00] =	vst v63  }
0x67: {  	_ =	swait.ge [sflag:s17], $0x80  }
0x68: {  	[sflag:s17] =	ssyncset.done $0x0  }
0x69: {  	[sflag:s17] =	ssyncadd.s32 $0xFFFFFF80  }
0x6a: {  	[tilespmem:s19], [sflag:$0x1] =	stream.indirect.gather [hbm4b:s1+s18], $0x80, s4, s18, $0xb8;
	[tilespmem:$0x17D00] =	vst v63  }
0x6b: {  	_ =	swait.ge [sflag:s20], $0x4000  }
.Ltmp5:
0x6c: {  	[sflag:s20] =	ssyncset.done $0x0;
	(pc) =	sbr.rel @!p1 .LBB2_3-.Ltmp5, $4  }
0x6d: {  	[sflag:s20] =	ssyncadd.s32 $0xFFFFC000  }
0x6e: {  	[spmem:s3] =	stream.indirect.scatter.add.f32 [tilespmem:s19], [sflag:$0x2], $0x80, s18, s18, $0xb8;
	[tilespmem:$0x17D00] =	vst v63  }
0x6f: {  	_ =	swait.ge [sflag:s17], $0x4000  }
0x70: {  	s23 =	smov.u32 s26;
	[sflag:s17] =	ssyncset.done $0x0  }
0x71: {  	s23 =	sadd.s32 s22, s13;
	[sflag:s17] =	ssyncadd.s32 $0xFFFFC000  }
0x72: {  	[tilespmem:s4], [sflag:$0x2] =	stream.linear.gather [hbm4b:s23+s4], $0x80, $0x38;
	[tilespmem:$0x17D00] =	vst v63  }
0x73: {  	_ =	swait.ge [sflag:s17], $0x80  }
0x74: {  	[sflag:s17] =	ssyncset.done $0x0  }
0x75: {  	s31 =	sadd.s32 s22, s12;
	[sflag:s17] =	ssyncadd.s32 $0xFFFFFF80  }
0x76: {  	[tilespmem:s18], [sflag:$0x2] =	stream.linear.gather [hbm4b:s31+s4], $0x80, $0x38;
	[tilespmem:$0x17D00] =	vst v63  }
0x77: {  	_ =	swait.ge [sflag:s17], $0x80  }
0x78: {  	[sflag:s17] =	ssyncset.done $0x0  }
0x79: {  	[sflag:s17] =	ssyncadd.s32 $0xFFFFFF80  }
0x7a: {  	[tilespmem:s19], [sflag:$0x1] =	stream.indirect.gather [hbm4b:s1+s18], $0x80, s4, s18, $0xb8;
	[tilespmem:$0x17D00] =	vst v63  }
0x7b: {  	_ =	swait.ge [sflag:s20], $0x4000  }
0x7c: {  	[sflag:s20] =	ssyncset.done $0x0  }
.Ltmp6:
0x7d: {  	[sflag:s20] =	ssyncadd.s32 $0xFFFFC000;
	(pc) =	sbr.rel .LBB2_8-.Ltmp6, $4  }
0x7e: {  	[spmem:s3] =	stream.indirect.scatter.add.f32 [tilespmem:s19], [sflag:$0x2], $0x80, s18, s18, $0xb8;
	[tilespmem:$0x17D00] =	vst v63  }
0x7f: {  	_ =	swait.ge [sflag:s17], $0x4000  }
0x80: {  	[sflag:s17] =	ssyncset.done $0x0  }
0x81: {  	s22 =	smov.u32 s7;
	[sflag:s17] =	ssyncadd.s32 $0xFFFFC000  }
.LBB2_9:
0x82: {  	_ =	sfence.sel $0x180000  }
0x83: {  	[bflag:$0x0] =	sbarrier.arrive $0xFFFF  }
0x84: {  	p0 =	sne.s32 s2, $0x0;
	_ =	strace $0x9000004D  }
0x85: {  	s0 =	sadd.s32 @!p0 $0x100000, s0;
	[bflag:$0x2] =	sbarrier.arrive $0xFFFF  }
0x86: {  	[sflag:s0] =	ssyncadd.tile.s32 @!p0 $0x1;
	_ =	shalt  }
.Lfunc_end2:
_tile_overlayer_lowered:
.L_overlay_start_2:
0x87: {  	(tag) =	ssettag $0x2  }
0x88: {  	s0 =	rddreg [dreg:$0x0];
	s2 =	stileid.u32  }
0x89: {  	s1 =	rddreg [dreg:$0x1];
	p0 =	sne.s32 s2, $0x0  }
0x8a: {  	s3 =	rddreg [dreg:$0x2];
	[bflag:$0x3] =	sbarrier.arrive $0xFFFF;
	s2 =	simm.s32 @!p0 $0x1C02  }
0x8b: {  	[timem:s3], [sflag:s2] =	dma.local @!p0 [hbm:s0], s1  }
0x8c: {  	s0 =	simm.s32 @!p0 $0x2  }
0x8d: {  	_ =	swait.ge @!p0 [sflag:s0], s1  }
0x8e: {  	s1 =	ssub.s32 @!p0 $0x0, s1;
	[sflag:s0] =	ssyncset.done @!p0 $0x0  }
0x8f: {  	[sflag:s0] =	ssyncadd.s32 @!p0 s1  }
0x90: {  	[bflag:$0x3] =	sbarrier.arrive $0xFFFF  }
0x91: {  	_ =	shalt  }

</sc_bundles>
